<compile_context>
chip_gen: v7x
topology: tpu7x:2x2x1
jax: 0.10.2.dev20260603
libtpu: 0.0.44.dev20260713+nightly
codegen_flags: <defaults>
</compile_context>

<pallas_src>
import functools

import numpy as np

import jax
from jax import lax
import jax.numpy as jnp
from jax.experimental import pallas as pl
from jax.experimental.pallas import tpu as pltpu
from jax.experimental.pallas import tpu_sc as plsc

BATCH = 64
MAX_SEQ = 2048
D_MODEL = 768
VOCAB = 44
NTOK = BATCH * MAX_SEQ
NW = 32
P_PER_W = MAX_SEQ // NW


def _positional_encoding(d_model, max_len):
    position = jnp.arange(0, max_len, dtype=jnp.float32)[:, None]
    div_term = jnp.exp(
        jnp.arange(0, d_model, 2, dtype=jnp.float32) * (-np.log(10000.0) / d_model)
    )
    pe = jnp.zeros((max_len, d_model), dtype=jnp.float32)
    pe = pe.at[:, 0::2].set(jnp.sin(position * div_term))
    pe = pe.at[:, 1::2].set(jnp.cos(position * div_term))
    return pe


@functools.partial(jax.jit, static_argnums=())
def kernel(tokens, emb_table):
    pe = _positional_encoding(D_MODEL, MAX_SEQ)
    idx = tokens.reshape(NTOK)

    mesh = plsc.VectorSubcoreMesh(core_axis_name="c", subcore_axis_name="s")

    @functools.partial(
        pl.kernel,
        mesh=mesh,
        out_type=jax.ShapeDtypeStruct((NTOK, D_MODEL), jnp.float32),
        scratch_types=[
            pltpu.VMEM((P_PER_W,), jnp.int32),
            pltpu.VMEM((P_PER_W, D_MODEL), jnp.float32),
            pltpu.VMEM((P_PER_W, D_MODEL), jnp.float32),
            pltpu.SemaphoreType.DMA,
        ],
    )
    def sc_embed(table_hbm, idx_hbm, pe_hbm, out_hbm, idx_v, rows_v, pe_v, sem):
        wid = lax.axis_index("s") * 2 + lax.axis_index("c")
        pltpu.sync_copy(pe_hbm.at[pl.ds(wid * P_PER_W, P_PER_W)], pe_v)

        @pl.loop(0, BATCH)
        def _(b):
            base = b * MAX_SEQ + wid * P_PER_W
            pltpu.sync_copy(idx_hbm.at[pl.ds(base, P_PER_W)], idx_v)
            pltpu.async_copy(table_hbm.at[idx_v], rows_v, sem).wait()

            @pl.loop(0, P_PER_W)
            def _(r):
                for c in range(0, D_MODEL, 16):
                    slc = (pl.ds(r, 1), pl.ds(c, 16))
                    rows_v.at[slc][...] = (
                        rows_v.at[slc][...] + pe_v.at[slc][...]
                    )

            pltpu.sync_copy(rows_v, out_hbm.at[pl.ds(base, P_PER_W)])

    out = sc_embed(emb_table, idx, pe)
    return out.reshape(BATCH, MAX_SEQ, D_MODEL)

# --- scband reference (transcript-rebuilt; emitter-appended) ---
"""Pipeline reference for scband-sentence-embedding-36756330119645 (READ-ONLY COPY).

The authoritative reference and input builder live on the scoring server;
editing this copy changes nothing except your own understanding.
"""

import jax, jax.numpy as jnp
import numpy as np

BATCH = 64
MAX_SEQ = 2048
D_MODEL = 768
VOCAB = 44  # len(language_to_index)


def positional_encoding(d_model, max_len):
    position = jnp.arange(0, max_len, dtype=jnp.float32)[:, None]
    div_term = jnp.exp(jnp.arange(0, d_model, 2, dtype=jnp.float32) * (-np.log(10000.0) / d_model))
    pe = jnp.zeros((max_len, d_model), dtype=jnp.float32)
    pe = pe.at[:, 0::2].set(jnp.sin(position * div_term))
    pe = pe.at[:, 1::2].set(jnp.cos(position * div_term))
    return pe


def setup_inputs(seed: int = 0) -> dict:
    key = jax.random.key(seed)
    k1, k2 = jax.random.split(key)
    tokens = jax.random.randint(k1, (BATCH, MAX_SEQ), 0, VOCAB, dtype=jnp.int32)
    # nn.Embedding default init: N(0, 1)
    emb_table = jax.random.normal(k2, (VOCAB, D_MODEL), dtype=jnp.float32)
    return {"tokens": tokens, "emb_table": emb_table}


def reference(tokens, emb_table):
    # embedding lookup (gather rows)
    x = jnp.take(emb_table, tokens, axis=0)  # [B, L, D]
    # add positional encoding
    pe = positional_encoding(D_MODEL, MAX_SEQ)  # [L, D]
    x = x + pe[None, :, :]
    # dropout(p=0.1) is identity in eval/deterministic mode
    return x

if __name__ == "__main__":
    import jax
    _d = setup_inputs()
    print(jax.jit(kernel)(*tuple(_d.values())))

</pallas_src>

<mosaic_0001>
#map = affine_map<(d0, d1) -> (0, 0)>
#map1 = affine_map<(d0, d1) -> (0)>
module attributes {stable_mosaic.version = 14 : i64} {
  func.func @sc_embed(%arg0: i32, %arg1: i32, %arg2: memref<44x768xf32, #tpu.memory_space<hbm>>, %arg3: memref<131072xi32, #tpu.memory_space<hbm>>, %arg4: memref<2048x768xf32, #tpu.memory_space<hbm>>, %arg5: memref<131072x768xf32, #tpu.memory_space<hbm>>, %arg6: memref<64xi32, #tpu.memory_space<vmem>>, %arg7: memref<64x768xf32, #tpu.memory_space<vmem>>, %arg8: memref<64x768xf32, #tpu.memory_space<vmem>>, %arg9: memref<!tpu.dma_semaphore, #tpu.memory_space<semaphore_mem>>) attributes {dimension_semantics = [#tpu.dimension_semantics<core_parallel>, #tpu.dimension_semantics<subcore_parallel>], iteration_bounds = array<i64: 2, 16>, scalar_prefetch = 0 : i64, scratch_operands = 4 : i64, tpu.core_type = #tpu.core_type<sc_vector_subcore>, window_params = [{transform_indices = #map}, {transform_indices = #map1}, {transform_indices = #map}, {transform_indices = #map}]} {
    %mul3A = arith.constant 2 : i32
    %mul3A_0 = arith.muli %arg1, %mul3A : i32
    %add3A = arith.addi %mul3A_0, %arg0 : i32
    %mul3A_1 = arith.constant 64 : i32
    %mul3A_2 = arith.muli %add3A, %mul3A_1 : i32
    "tpu.region"() ({
      %run_scoped3A = tpu.sem_alloc : memref<!tpu.dma_semaphore, #tpu.memory_space<semaphore_mem>>
      %dma_start3A = arith.constant 0 : i32
      %dma_start3A_7 = tpu.memref_slice %arg4[%mul3A_2, %dma_start3A] : memref<2048x768xf32, #tpu.memory_space<hbm>> -> memref<64x768xf32, #tpu.memory_space<hbm>>
      %dma_start3A_8 = arith.constant 0 : i32
      %dma_start3A_9 = tpu.memref_slice %arg4[%mul3A_2, %dma_start3A_8] : memref<2048x768xf32, #tpu.memory_space<hbm>> -> memref<64x768xf32, #tpu.memory_space<hbm>>
      tpu.enqueue_dma source(%dma_start3A_9 : memref<64x768xf32, #tpu.memory_space<hbm>>) target(%arg8 : memref<64x768xf32, #tpu.memory_space<vmem>>) target_semaphore(%run_scoped3A : memref<!tpu.dma_semaphore, #tpu.memory_space<semaphore_mem>>)
      %dma_wait3A = arith.constant 0 : i32
      %dma_wait3A_10 = tpu.memref_slice %arg4[%mul3A_2, %dma_wait3A] : memref<2048x768xf32, #tpu.memory_space<hbm>> -> memref<64x768xf32, #tpu.memory_space<hbm>>
      %dma_wait3A_11 = arith.constant 0 : i32
      %dma_wait3A_12 = tpu.memref_slice %arg4[%mul3A_2, %dma_wait3A_11] : memref<2048x768xf32, #tpu.memory_space<hbm>> -> memref<64x768xf32, #tpu.memory_space<hbm>>
      tpu.wait_dma2 semaphore(%run_scoped3A : memref<!tpu.dma_semaphore, #tpu.memory_space<semaphore_mem>>) src(%dma_wait3A_12 : memref<64x768xf32, #tpu.memory_space<hbm>>) dst(%arg8 : memref<64x768xf32, #tpu.memory_space<vmem>>)
      tpu.yield
    }) : () -> ()
    %scan3A = arith.constant 0 : i32
    %scan3A_3 = arith.constant 64 : i32
    %scan3A_4 = arith.addi %scan3A, %scan3A_3 : i32
    %scan3A_5 = arith.constant 1 : i32
    scf.for %scan3A_7 = %scan3A to %scan3A_4 step %scan3A_5  : i32 {
      %mul3A_8 = arith.constant 1 : i32
      %mul3A_9 = arith.muli %scan3A_7, %mul3A_8 : i32
      %add3A_10 = arith.constant 0 : i32
      %add3A_11 = arith.addi %add3A_10, %mul3A_9 : i32
      %mul3A_12 = arith.constant 2048 : i32
      %mul3A_13 = arith.muli %add3A_11, %mul3A_12 : i32
      %mul3A_14 = arith.constant 64 : i32
      %mul3A_15 = arith.muli %add3A, %mul3A_14 : i32
      %add3A_16 = arith.addi %mul3A_13, %mul3A_15 : i32
      "tpu.region"() ({
        %run_scoped3A = tpu.sem_alloc : memref<!tpu.dma_semaphore, #tpu.memory_space<semaphore_mem>>
        %dma_start3A_26 = tpu.memref_slice %arg3[%add3A_16] : memref<131072xi32, #tpu.memory_space<hbm>> -> memref<64xi32, #tpu.memory_space<hbm>>
        %dma_start3A_27 = tpu.memref_slice %arg3[%add3A_16] : memref<131072xi32, #tpu.memory_space<hbm>> -> memref<64xi32, #tpu.memory_space<hbm>>
        tpu.enqueue_dma source(%dma_start3A_27 : memref<64xi32, #tpu.memory_space<hbm>>) target(%arg6 : memref<64xi32, #tpu.memory_space<vmem>>) target_semaphore(%run_scoped3A : memref<!tpu.dma_semaphore, #tpu.memory_space<semaphore_mem>>)
        %dma_wait3A_28 = tpu.memref_slice %arg3[%add3A_16] : memref<131072xi32, #tpu.memory_space<hbm>> -> memref<64xi32, #tpu.memory_space<hbm>>
        %dma_wait3A_29 = tpu.memref_slice %arg3[%add3A_16] : memref<131072xi32, #tpu.memory_space<hbm>> -> memref<64xi32, #tpu.memory_space<hbm>>
        tpu.wait_dma2 semaphore(%run_scoped3A : memref<!tpu.dma_semaphore, #tpu.memory_space<semaphore_mem>>) src(%dma_wait3A_29 : memref<64xi32, #tpu.memory_space<hbm>>) dst(%arg6 : memref<64xi32, #tpu.memory_space<vmem>>)
        tpu.yield
      }) : () -> ()
      %dma_start3A = arith.constant 0 : i32
      %dma_start3A_17 = arith.constant 0 : i32
      %dma_start3A_18 = tpu.memref_slice %arg2[%dma_start3A, %dma_start3A_17] : memref<44x768xf32, #tpu.memory_space<hbm>> -> memref<44x768xf32, #tpu.memory_space<hbm>>
      tpu.enqueue_indirect_dma source(%dma_start3A_18 : memref<44x768xf32, #tpu.memory_space<hbm>>) target(%arg7 : memref<64x768xf32, #tpu.memory_space<vmem>>) offsets(%arg6 : memref<64xi32, #tpu.memory_space<vmem>>) semaphore(%arg9 : memref<!tpu.dma_semaphore, #tpu.memory_space<semaphore_mem>>)
      %dma_wait3A = arith.constant 0 : i32
      %dma_wait3A_19 = arith.constant 0 : i32
      %dma_wait3A_20 = tpu.memref_slice %arg2[%dma_wait3A, %dma_wait3A_19] : memref<44x768xf32, #tpu.memory_space<hbm>> -> memref<44x768xf32, #tpu.memory_space<hbm>>
      tpu.wait_indirect_dma semaphore(%arg9 : memref<!tpu.dma_semaphore, #tpu.memory_space<semaphore_mem>>) src(%dma_wait3A_20 : memref<44x768xf32, #tpu.memory_space<hbm>>) dst(%arg7 : memref<64x768xf32, #tpu.memory_space<vmem>>)
      %scan3A_21 = arith.constant 0 : i32
      %scan3A_22 = arith.constant 64 : i32
      %scan3A_23 = arith.addi %scan3A_21, %scan3A_22 : i32
      %scan3A_24 = arith.constant 1 : i32
      scf.for %scan3A_26 = %scan3A_21 to %scan3A_23 step %scan3A_24  : i32 {
        %mul3A_27 = arith.constant 1 : i32
        %mul3A_28 = arith.muli %scan3A_26, %mul3A_27 : i32
        %add3A_29 = arith.constant 0 : i32
        %add3A_30 = arith.addi %add3A_29, %mul3A_28 : i32
        %get3A = arith.index_cast %add3A_30 : i32 to index
        %get3A_31 = arith.constant 0 : index
        %get3A_32 = tpu.vector_load %arg7[%get3A, %get3A_31] {strides = array<i32>} : memref<64x768xf32, #tpu.memory_space<vmem>>, vector<1x16xf32>,
        %get3A_33 = vector.shape_cast %get3A_32 : vector<1x16xf32> to vector<1x16xf32>
        %get3A_34 = arith.index_cast %add3A_30 : i32 to index
        %get3A_35 = arith.constant 0 : index
        %get3A_36 = tpu.vector_load %arg8[%get3A_34, %get3A_35] {strides = array<i32>} : memref<64x768xf32, #tpu.memory_space<vmem>>, vector<1x16xf32>,
        %get3A_37 = vector.shape_cast %get3A_36 : vector<1x16xf32> to vector<1x16xf32>
        %add3A_38 = arith.addf %get3A_33, %get3A_37 : vector<1x16xf32>
        %swap3A = arith.index_cast %add3A_30 : i32 to index
        %swap3A_39 = arith.constant 0 : index
        %swap3A_40 = tpu.vector_load %arg7[%swap3A, %swap3A_39] {strides = array<i32>} : memref<64x768xf32, #tpu.memory_space<vmem>>, vector<1x16xf32>,
        %swap3A_41 = vector.shape_cast %swap3A_40 : vector<1x16xf32> to vector<1x16xf32>
        %swap3A_42 = vector.shape_cast %add3A_38 : vector<1x16xf32> to vector<1x16xf32>
        tpu.vector_store %arg7[%swap3A, %swap3A_39], %swap3A_42 {strides = array<i32>} : memref<64x768xf32, #tpu.memory_space<vmem>>, vector<1x16xf32>,
        %get3A_43 = arith.index_cast %add3A_30 : i32 to index
        %get3A_44 = arith.constant 16 : index
        %get3A_45 = tpu.vector_load %arg7[%get3A_43, %get3A_44] {strides = array<i32>} : memref<64x768xf32, #tpu.memory_space<vmem>>, vector<1x16xf32>,
        %get3A_46 = vector.shape_cast %get3A_45 : vector<1x16xf32> to vector<1x16xf32>
        %get3A_47 = arith.index_cast %add3A_30 : i32 to index
        %get3A_48 = arith.constant 16 : index
        %get3A_49 = tpu.vector_load %arg8[%get3A_47, %get3A_48] {strides = array<i32>} : memref<64x768xf32, #tpu.memory_space<vmem>>, vector<1x16xf32>,
        %get3A_50 = vector.shape_cast %get3A_49 : vector<1x16xf32> to vector<1x16xf32>
        %add3A_51 = arith.addf %get3A_46, %get3A_50 : vector<1x16xf32>
        %swap3A_52 = arith.index_cast %add3A_30 : i32 to index
        %swap3A_53 = arith.constant 16 : index
        %swap3A_54 = tpu.vector_load %arg7[%swap3A_52, %swap3A_53] {strides = array<i32>} : memref<64x768xf32, #tpu.memory_space<vmem>>, vector<1x16xf32>,
        %swap3A_55 = vector.shape_cast %swap3A_54 : vector<1x16xf32> to vector<1x16xf32>
        %swap3A_56 = vector.shape_cast %add3A_51 : vector<1x16xf32> to vector<1x16xf32>
        tpu.vector_store %arg7[%swap3A_52, %swap3A_53], %swap3A_56 {strides = array<i32>} : memref<64x768xf32, #tpu.memory_space<vmem>>, vector<1x16xf32>,
        %get3A_57 = arith.index_cast %add3A_30 : i32 to index
        %get3A_58 = arith.constant 32 : index
        %get3A_59 = tpu.vector_load %arg7[%get3A_57, %get3A_58] {strides = array<i32>} : memref<64x768xf32, #tpu.memory_space<vmem>>, vector<1x16xf32>,
        %get3A_60 = vector.shape_cast %get3A_59 : vector<1x16xf32> to vector<1x16xf32>
        %get3A_61 = arith.index_cast %add3A_30 : i32 to index
        %get3A_62 = arith.constant 32 : index
        %get3A_63 = tpu.vector_load %arg8[%get3A_61, %get3A_62] {strides = array<i32>} : memref<64x768xf32, #tpu.memory_space<vmem>>, vector<1x16xf32>,
        %get3A_64 = vector.shape_cast %get3A_63 : vector<1x16xf32> to vector<1x16xf32>
        %add3A_65 = arith.addf %get3A_60, %get3A_64 : vector<1x16xf32>
        %swap3A_66 = arith.index_cast %add3A_30 : i32 to index
        %swap3A_67 = arith.constant 32 : index
        %swap3A_68 = tpu.vector_load %arg7[%swap3A_66, %swap3A_67] {strides = array<i32>} : memref<64x768xf32, #tpu.memory_space<vmem>>, vector<1x16xf32>,
        %swap3A_69 = vector.shape_cast %swap3A_68 : vector<1x16xf32> to vector<1x16xf32>
        %swap3A_70 = vector.shape_cast %add3A_65 : vector<1x16xf32> to vector<1x16xf32>
        tpu.vector_store %arg7[%swap3A_66, %swap3A_67], %swap3A_70 {strides = array<i32>} : memref<64x768xf32, #tpu.memory_space<vmem>>, vector<1x16xf32>,
        %get3A_71 = arith.index_cast %add3A_30 : i32 to index
        %get3A_72 = arith.constant 48 : index
        %get3A_73 = tpu.vector_load %arg7[%get3A_71, %get3A_72] {strides = array<i32>} : memref<64x768xf32, #tpu.memory_space<vmem>>, vector<1x16xf32>,
        %get3A_74 = vector.shape_cast %get3A_73 : vector<1x16xf32> to vector<1x16xf32>
        %get3A_75 = arith.index_cast %add3A_30 : i32 to index
        %get3A_76 = arith.constant 48 : index
        %get3A_77 = tpu.vector_load %arg8[%get3A_75, %get3A_76] {strides = array<i32>} : memref<64x768xf32, #tpu.memory_space<vmem>>, vector<1x16xf32>,
        %get3A_78 = vector.shape_cast %get3A_77 : vector<1x16xf32> to vector<1x16xf32>
        %add3A_79 = arith.addf %get3A_74, %get3A_78 : vector<1x16xf32>
        %swap3A_80 = arith.index_cast %add3A_30 : i32 to index
        %swap3A_81 = arith.constant 48 : index
        %swap3A_82 = tpu.vector_load %arg7[%swap3A_80, %swap3A_81] {strides = array<i32>} : memref<64x768xf32, #tpu.memory_space<vmem>>, vector<1x16xf32>,
        %swap3A_83 = vector.shape_cast %swap3A_82 : vector<1x16xf32> to vector<1x16xf32>
        %swap3A_84 = vector.shape_cast %add3A_79 : vector<1x16xf32> to vector<1x16xf32>
        tpu.vector_store %arg7[%swap3A_80, %swap3A_81], %swap3A_84 {strides = array<i32>} : memref<64x768xf32, #tpu.memory_space<vmem>>, vector<1x16xf32>,
        %get3A_85 = arith.index_cast %add3A_30 : i32 to index
        %get3A_86 = arith.constant 64 : index
        %get3A_87 = tpu.vector_load %arg7[%get3A_85, %get3A_86] {strides = array<i32>} : memref<64x768xf32, #tpu.memory_space<vmem>>, vector<1x16xf32>,
        %get3A_88 = vector.shape_cast %get3A_87 : vector<1x16xf32> to vector<1x16xf32>
        %get3A_89 = arith.index_cast %add3A_30 : i32 to index
        %get3A_90 = arith.constant 64 : index
        %get3A_91 = tpu.vector_load %arg8[%get3A_89, %get3A_90] {strides = array<i32>} : memref<64x768xf32, #tpu.memory_space<vmem>>, vector<1x16xf32>,
        %get3A_92 = vector.shape_cast %get3A_91 : vector<1x16xf32> to vector<1x16xf32>
        %add3A_93 = arith.addf %get3A_88, %get3A_92 : vector<1x16xf32>
        %swap3A_94 = arith.index_cast %add3A_30 : i32 to index
        %swap3A_95 = arith.constant 64 : index
        %swap3A_96 = tpu.vector_load %arg7[%swap3A_94, %swap3A_95] {strides = array<i32>} : memref<64x768xf32, #tpu.memory_space<vmem>>, vector<1x16xf32>,
        %swap3A_97 = vector.shape_cast %swap3A_96 : vector<1x16xf32> to vector<1x16xf32>
        %swap3A_98 = vector.shape_cast %add3A_93 : vector<1x16xf32> to vector<1x16xf32>
        tpu.vector_store %arg7[%swap3A_94, %swap3A_95], %swap3A_98 {strides = array<i32>} : memref<64x768xf32, #tpu.memory_space<vmem>>, vector<1x16xf32>,
        %get3A_99 = arith.index_cast %add3A_30 : i32 to index
        %get3A_100 = arith.constant 80 : index
        %get3A_101 = tpu.vector_load %arg7[%get3A_99, %get3A_100] {strides = array<i32>} : memref<64x768xf32, #tpu.memory_space<vmem>>, vector<1x16xf32>,
        %get3A_102 = vector.shape_cast %get3A_101 : vector<1x16xf32> to vector<1x16xf32>
        %get3A_103 = arith.index_cast %add3A_30 : i32 to index
        %get3A_104 = arith.constant 80 : index
        %get3A_105 = tpu.vector_load %arg8[%get3A_103, %get3A_104] {strides = array<i32>} : memref<64x768xf32, #tpu.memory_space<vmem>>, vector<1x16xf32>,
        %get3A_106 = vector.shape_cast %get3A_105 : vector<1x16xf32> to vector<1x16xf32>
        %add3A_107 = arith.addf %get3A_102, %get3A_106 : vector<1x16xf32>
        %swap3A_108 = arith.index_cast %add3A_30 : i32 to index
        %swap3A_109 = arith.constant 80 : index
        %swap3A_110 = tpu.vector_load %arg7[%swap3A_108, %swap3A_109] {strides = array<i32>} : memref<64x768xf32, #tpu.memory_space<vmem>>, vector<1x16xf32>,
        %swap3A_111 = vector.shape_cast %swap3A_110 : vector<1x16xf32> to vector<1x16xf32>
        %swap3A_112 = vector.shape_cast %add3A_107 : vector<1x16xf32> to vector<1x16xf32>
        tpu.vector_store %arg7[%swap3A_108, %swap3A_109], %swap3A_112 {strides = array<i32>} : memref<64x768xf32, #tpu.memory_space<vmem>>, vector<1x16xf32>,
        %get3A_113 = arith.index_cast %add3A_30 : i32 to index
        %get3A_114 = arith.constant 96 : index
        %get3A_115 = tpu.vector_load %arg7[%get3A_113, %get3A_114] {strides = array<i32>} : memref<64x768xf32, #tpu.memory_space<vmem>>, vector<1x16xf32>,
        %get3A_116 = vector.shape_cast %get3A_115 : vector<1x16xf32> to vector<1x16xf32>
        %get3A_117 = arith.index_cast %add3A_30 : i32 to index
        %get3A_118 = arith.constant 96 : index
        %get3A_119 = tpu.vector_load %arg8[%get3A_117, %get3A_118] {strides = array<i32>} : memref<64x768xf32, #tpu.memory_space<vmem>>, vector<1x16xf32>,
        %get3A_120 = vector.shape_cast %get3A_119 : vector<1x16xf32> to vector<1x16xf32>
        %add3A_121 = arith.addf %get3A_116, %get3A_120 : vector<1x16xf32>
        %swap3A_122 = arith.index_cast %add3A_30 : i32 to index
        %swap3A_123 = arith.constant 96 : index
        %swap3A_124 = tpu.vector_load %arg7[%swap3A_122, %swap3A_123] {strides = array<i32>} : memref<64x768xf32, #tpu.memory_space<vmem>>, vector<1x16xf32>,
        %swap3A_125 = vector.shape_cast %swap3A_124 : vector<1x16xf32> to vector<1x16xf32>
        %swap3A_126 = vector.shape_cast %add3A_121 : vector<1x16xf32> to vector<1x16xf32>
        tpu.vector_store %arg7[%swap3A_122, %swap3A_123], %swap3A_126 {strides = array<i32>} : memref<64x768xf32, #tpu.memory_space<vmem>>, vector<1x16xf32>,
        %get3A_127 = arith.index_cast %add3A_30 : i32 to index
        %get3A_128 = arith.constant 112 : index
        %get3A_129 = tpu.vector_load %arg7[%get3A_127, %get3A_128] {strides = array<i32>} : memref<64x768xf32, #tpu.memory_space<vmem>>, vector<1x16xf32>,
        %get3A_130 = vector.shape_cast %get3A_129 : vector<1x16xf32> to vector<1x16xf32>
        %get3A_131 = arith.index_cast %add3A_30 : i32 to index
        %get3A_132 = arith.constant 112 : index
        %get3A_133 = tpu.vector_load %arg8[%get3A_131, %get3A_132] {strides = array<i32>} : memref<64x768xf32, #tpu.memory_space<vmem>>, vector<1x16xf32>,
        %get3A_134 = vector.shape_cast %get3A_133 : vector<1x16xf32> to vector<1x16xf32>
        %add3A_135 = arith.addf %get3A_130, %get3A_134 : vector<1x16xf32>
        %swap3A_136 = arith.index_cast %add3A_30 : i32 to index
        %swap3A_137 = arith.constant 112 : index
        %swap3A_138 = tpu.vector_load %arg7[%swap3A_136, %swap3A_137] {strides = array<i32>} : memref<64x768xf32, #tpu.memory_space<vmem>>, vector<1x16xf32>,
        %swap3A_139 = vector.shape_cast %swap3A_138 : vector<1x16xf32> to vector<1x16xf32>
        %swap3A_140 = vector.shape_cast %add3A_135 : vector<1x16xf32> to vector<1x16xf32>
        tpu.vector_store %arg7[%swap3A_136, %swap3A_137], %swap3A_140 {strides = array<i32>} : memref<64x768xf32, #tpu.memory_space<vmem>>, vector<1x16xf32>,
        %get3A_141 = arith.index_cast %add3A_30 : i32 to index
        %get3A_142 = arith.constant 128 : index
        %get3A_143 = tpu.vector_load %arg7[%get3A_141, %get3A_142] {strides = array<i32>} : memref<64x768xf32, #tpu.memory_space<vmem>>, vector<1x16xf32>,
        %get3A_144 = vector.shape_cast %get3A_143 : vector<1x16xf32> to vector<1x16xf32>
        %get3A_145 = arith.index_cast %add3A_30 : i32 to index
        %get3A_146 = arith.constant 128 : index
        %get3A_147 = tpu.vector_load %arg8[%get3A_145, %get3A_146] {strides = array<i32>} : memref<64x768xf32, #tpu.memory_space<vmem>>, vector<1x16xf32>,
        %get3A_148 = vector.shape_cast %get3A_147 : vector<1x16xf32> to vector<1x16xf32>
        %add3A_149 = arith.addf %get3A_144, %get3A_148 : vector<1x16xf32>
        %swap3A_150 = arith.index_cast %add3A_30 : i32 to index
        %swap3A_151 = arith.constant 128 : index
        %swap3A_152 = tpu.vector_load %arg7[%swap3A_150, %swap3A_151] {strides = array<i32>} : memref<64x768xf32, #tpu.memory_space<vmem>>, vector<1x16xf32>,
        %swap3A_153 = vector.shape_cast %swap3A_152 : vector<1x16xf32> to vector<1x16xf32>
        %swap3A_154 = vector.shape_cast %add3A_149 : vector<1x16xf32> to vector<1x16xf32>
        tpu.vector_store %arg7[%swap3A_150, %swap3A_151], %swap3A_154 {strides = array<i32>} : memref<64x768xf32, #tpu.memory_space<vmem>>, vector<1x16xf32>,
        %get3A_155 = arith.index_cast %add3A_30 : i32 to index
        %get3A_156 = arith.constant 144 : index
        %get3A_157 = tpu.vector_load %arg7[%get3A_155, %get3A_156] {strides = array<i32>} : memref<64x768xf32, #tpu.memory_space<vmem>>, vector<1x16xf32>,
        %get3A_158 = vector.shape_cast %get3A_157 : vector<1x16xf32> to vector<1x16xf32>
        %get3A_159 = arith.index_cast %add3A_30 : i32 to index
        %get3A_160 = arith.constant 144 : index
        %get3A_161 = tpu.vector_load %arg8[%get3A_159, %get3A_160] {strides = array<i32>} : memref<64x768xf32, #tpu.memory_space<vmem>>, vector<1x16xf32>,
        %get3A_162 = vector.shape_cast %get3A_161 : vector<1x16xf32> to vector<1x16xf32>
        %add3A_163 = arith.addf %get3A_158, %get3A_162 : vector<1x16xf32>
        %swap3A_164 = arith.index_cast %add3A_30 : i32 to index
        %swap3A_165 = arith.constant 144 : index
        %swap3A_166 = tpu.vector_load %arg7[%swap3A_164, %swap3A_165] {strides = array<i32>} : memref<64x768xf32, #tpu.memory_space<vmem>>, vector<1x16xf32>,
        %swap3A_167 = vector.shape_cast %swap3A_166 : vector<1x16xf32> to vector<1x16xf32>
        %swap3A_168 = vector.shape_cast %add3A_163 : vector<1x16xf32> to vector<1x16xf32>
        tpu.vector_store %arg7[%swap3A_164, %swap3A_165], %swap3A_168 {strides = array<i32>} : memref<64x768xf32, #tpu.memory_space<vmem>>, vector<1x16xf32>,
        %get3A_169 = arith.index_cast %add3A_30 : i32 to index
        %get3A_170 = arith.constant 160 : index
        %get3A_171 = tpu.vector_load %arg7[%get3A_169, %get3A_170] {strides = array<i32>} : memref<64x768xf32, #tpu.memory_space<vmem>>, vector<1x16xf32>,
        %get3A_172 = vector.shape_cast %get3A_171 : vector<1x16xf32> to vector<1x16xf32>
        %get3A_173 = arith.index_cast %add3A_30 : i32 to index
        %get3A_174 = arith.constant 160 : index
        %get3A_175 = tpu.vector_load %arg8[%get3A_173, %get3A_174] {strides = array<i32>} : memref<64x768xf32, #tpu.memory_space<vmem>>, vector<1x16xf32>,
        %get3A_176 = vector.shape_cast %get3A_175 : vector<1x16xf32> to vector<1x16xf32>
        %add3A_177 = arith.addf %get3A_172, %get3A_176 : vector<1x16xf32>
        %swap3A_178 = arith.index_cast %add3A_30 : i32 to index
        %swap3A_179 = arith.constant 160 : index
        %swap3A_180 = tpu.vector_load %arg7[%swap3A_178, %swap3A_179] {strides = array<i32>} : memref<64x768xf32, #tpu.memory_space<vmem>>, vector<1x16xf32>,
        %swap3A_181 = vector.shape_cast %swap3A_180 : vector<1x16xf32> to vector<1x16xf32>
        %swap3A_182 = vector.shape_cast %add3A_177 : vector<1x16xf32> to vector<1x16xf32>
        tpu.vector_store %arg7[%swap3A_178, %swap3A_179], %swap3A_182 {strides = array<i32>} : memref<64x768xf32, #tpu.memory_space<vmem>>, vector<1x16xf32>,
        %get3A_183 = arith.index_cast %add3A_30 : i32 to index
        %get3A_184 = arith.constant 176 : index
        %get3A_185 = tpu.vector_load %arg7[%get3A_183, %get3A_184] {strides = array<i32>} : memref<64x768xf32, #tpu.memory_space<vmem>>, vector<1x16xf32>,
        %get3A_186 = vector.shape_cast %get3A_185 : vector<1x16xf32> to vector<1x16xf32>
        %get3A_187 = arith.index_cast %add3A_30 : i32 to index
        %get3A_188 = arith.constant 176 : index
        %get3A_189 = tpu.vector_load %arg8[%get3A_187, %get3A_188] {strides = array<i32>} : memref<64x768xf32, #tpu.memory_space<vmem>>, vector<1x16xf32>,
        %get3A_190 = vector.shape_cast %get3A_189 : vector<1x16xf32> to vector<1x16xf32>
        %add3A_191 = arith.addf %get3A_186, %get3A_190 : vector<1x16xf32>
        %swap3A_192 = arith.index_cast %add3A_30 : i32 to index
        %swap3A_193 = arith.constant 176 : index
        %swap3A_194 = tpu.vector_load %arg7[%swap3A_192, %swap3A_193] {strides = array<i32>} : memref<64x768xf32, #tpu.memory_space<vmem>>, vector<1x16xf32>,
        %swap3A_195 = vector.shape_cast %swap3A_194 : vector<1x16xf32> to vector<1x16xf32>
        %swap3A_196 = vector.shape_cast %add3A_191 : vector<1x16xf32> to vector<1x16xf32>
        tpu.vector_store %arg7[%swap3A_192, %swap3A_193], %swap3A_196 {strides = array<i32>} : memref<64x768xf32, #tpu.memory_space<vmem>>, vector<1x16xf32>,
        %get3A_197 = arith.index_cast %add3A_30 : i32 to index
        %get3A_198 = arith.constant 192 : index
        %get3A_199 = tpu.vector_load %arg7[%get3A_197, %get3A_198] {strides = array<i32>} : memref<64x768xf32, #tpu.memory_space<vmem>>, vector<1x16xf32>,
        %get3A_200 = vector.shape_cast %get3A_199 : vector<1x16xf32> to vector<1x16xf32>
        %get3A_201 = arith.index_cast %add3A_30 : i32 to index
        %get3A_202 = arith.constant 192 : index
        %get3A_203 = tpu.vector_load %arg8[%get3A_201, %get3A_202] {strides = array<i32>} : memref<64x768xf32, #tpu.memory_space<vmem>>, vector<1x16xf32>,
        %get3A_204 = vector.shape_cast %get3A_203 : vector<1x16xf32> to vector<1x16xf32>
        %add3A_205 = arith.addf %get3A_200, %get3A_204 : vector<1x16xf32>
        %swap3A_206 = arith.index_cast %add3A_30 : i32 to index
        %swap3A_207 = arith.constant 192 : index
        %swap3A_208 = tpu.vector_load %arg7[%swap3A_206, %swap3A_207] {strides = array<i32>} : memref<64x768xf32, #tpu.memory_space<vmem>>, vector<1x16xf32>,
        %swap3A_209 = vector.shape_cast %swap3A_208 : vector<1x16xf32> to vector<1x16xf32>
        %swap3A_210 = vector.shape_cast %add3A_205 : vector<1x16xf32> to vector<1x16xf32>
        tpu.vector_store %arg7[%swap3A_206, %swap3A_207], %swap3A_210 {strides = array<i32>} : memref<64x768xf32, #tpu.memory_space<vmem>>, vector<1x16xf32>,
        %get3A_211 = arith.index_cast %add3A_30 : i32 to index
        %get3A_212 = arith.constant 208 : index
        %get3A_213 = tpu.vector_load %arg7[%get3A_211, %get3A_212] {strides = array<i32>} : memref<64x768xf32, #tpu.memory_space<vmem>>, vector<1x16xf32>,
        %get3A_214 = vector.shape_cast %get3A_213 : vector<1x16xf32> to vector<1x16xf32>
        %get3A_215 = arith.index_cast %add3A_30 : i32 to index
        %get3A_216 = arith.constant 208 : index
        %get3A_217 = tpu.vector_load %arg8[%get3A_215, %get3A_216] {strides = array<i32>} : memref<64x768xf32, #tpu.memory_space<vmem>>, vector<1x16xf32>,
        %get3A_218 = vector.shape_cast %get3A_217 : vector<1x16xf32> to vector<1x16xf32>
        %add3A_219 = arith.addf %get3A_214, %get3A_218 : vector<1x16xf32>
        %swap3A_220 = arith.index_cast %add3A_30 : i32 to index
        %swap3A_221 = arith.constant 208 : index
        %swap3A_222 = tpu.vector_load %arg7[%swap3A_220, %swap3A_221] {strides = array<i32>} : memref<64x768xf32, #tpu.memory_space<vmem>>, vector<1x16xf32>,
        %swap3A_223 = vector.shape_cast %swap3A_222 : vector<1x16xf32> to vector<1x16xf32>
        %swap3A_224 = vector.shape_cast %add3A_219 : vector<1x16xf32> to vector<1x16xf32>
        tpu.vector_store %arg7[%swap3A_220, %swap3A_221], %swap3A_224 {strides = array<i32>} : memref<64x768xf32, #tpu.memory_space<vmem>>, vector<1x16xf32>,
        %get3A_225 = arith.index_cast %add3A_30 : i32 to index
        %get3A_226 = arith.constant 224 : index
        %get3A_227 = tpu.vector_load %arg7[%get3A_225, %get3A_226] {strides = array<i32>} : memref<64x768xf32, #tpu.memory_space<vmem>>, vector<1x16xf32>,
        %get3A_228 = vector.shape_cast %get3A_227 : vector<1x16xf32> to vector<1x16xf32>
        %get3A_229 = arith.index_cast %add3A_30 : i32 to index
        %get3A_230 = arith.constant 224 : index
        %get3A_231 = tpu.vector_load %arg8[%get3A_229, %get3A_230] {strides = array<i32>} : memref<64x768xf32, #tpu.memory_space<vmem>>, vector<1x16xf32>,
        %get3A_232 = vector.shape_cast %get3A_231 : vector<1x16xf32> to vector<1x16xf32>
        %add3A_233 = arith.addf %get3A_228, %get3A_232 : vector<1x16xf32>
        %swap3A_234 = arith.index_cast %add3A_30 : i32 to index
        %swap3A_235 = arith.constant 224 : index
        %swap3A_236 = tpu.vector_load %arg7[%swap3A_234, %swap3A_235] {strides = array<i32>} : memref<64x768xf32, #tpu.memory_space<vmem>>, vector<1x16xf32>,
        %swap3A_237 = vector.shape_cast %swap3A_236 : vector<1x16xf32> to vector<1x16xf32>
        %swap3A_238 = vector.shape_cast %add3A_233 : vector<1x16xf32> to vector<1x16xf32>
        tpu.vector_store %arg7[%swap3A_234, %swap3A_235], %swap3A_238 {strides = array<i32>} : memref<64x768xf32, #tpu.memory_space<vmem>>, vector<1x16xf32>,
        %get3A_239 = arith.index_cast %add3A_30 : i32 to index
        %get3A_240 = arith.constant 240 : index
        %get3A_241 = tpu.vector_load %arg7[%get3A_239, %get3A_240] {strides = array<i32>} : memref<64x768xf32, #tpu.memory_space<vmem>>, vector<1x16xf32>,
        %get3A_242 = vector.shape_cast %get3A_241 : vector<1x16xf32> to vector<1x16xf32>
        %get3A_243 = arith.index_cast %add3A_30 : i32 to index
        %get3A_244 = arith.constant 240 : index
        %get3A_245 = tpu.vector_load %arg8[%get3A_243, %get3A_244] {strides = array<i32>} : memref<64x768xf32, #tpu.memory_space<vmem>>, vector<1x16xf32>,
        %get3A_246 = vector.shape_cast %get3A_245 : vector<1x16xf32> to vector<1x16xf32>
        %add3A_247 = arith.addf %get3A_242, %get3A_246 : vector<1x16xf32>
        %swap3A_248 = arith.index_cast %add3A_30 : i32 to index
        %swap3A_249 = arith.constant 240 : index
        %swap3A_250 = tpu.vector_load %arg7[%swap3A_248, %swap3A_249] {strides = array<i32>} : memref<64x768xf32, #tpu.memory_space<vmem>>, vector<1x16xf32>,
        %swap3A_251 = vector.shape_cast %swap3A_250 : vector<1x16xf32> to vector<1x16xf32>
        %swap3A_252 = vector.shape_cast %add3A_247 : vector<1x16xf32> to vector<1x16xf32>
        tpu.vector_store %arg7[%swap3A_248, %swap3A_249], %swap3A_252 {strides = array<i32>} : memref<64x768xf32, #tpu.memory_space<vmem>>, vector<1x16xf32>,
        %get3A_253 = arith.index_cast %add3A_30 : i32 to index
        %get3A_254 = arith.constant 256 : index
        %get3A_255 = tpu.vector_load %arg7[%get3A_253, %get3A_254] {strides = array<i32>} : memref<64x768xf32, #tpu.memory_space<vmem>>, vector<1x16xf32>,
        %get3A_256 = vector.shape_cast %get3A_255 : vector<1x16xf32> to vector<1x16xf32>
        %get3A_257 = arith.index_cast %add3A_30 : i32 to index
        %get3A_258 = arith.constant 256 : index
        %get3A_259 = tpu.vector_load %arg8[%get3A_257, %get3A_258] {strides = array<i32>} : memref<64x768xf32, #tpu.memory_space<vmem>>, vector<1x16xf32>,
        %get3A_260 = vector.shape_cast %get3A_259 : vector<1x16xf32> to vector<1x16xf32>
        %add3A_261 = arith.addf %get3A_256, %get3A_260 : vector<1x16xf32>
        %swap3A_262 = arith.index_cast %add3A_30 : i32 to index
        %swap3A_263 = arith.constant 256 : index
        %swap3A_264 = tpu.vector_load %arg7[%swap3A_262, %swap3A_263] {strides = array<i32>} : memref<64x768xf32, #tpu.memory_space<vmem>>, vector<1x16xf32>,
        %swap3A_265 = vector.shape_cast %swap3A_264 : vector<1x16xf32> to vector<1x16xf32>
        %swap3A_266 = vector.shape_cast %add3A_261 : vector<1x16xf32> to vector<1x16xf32>
        tpu.vector_store %arg7[%swap3A_262, %swap3A_263], %swap3A_266 {strides = array<i32>} : memref<64x768xf32, #tpu.memory_space<vmem>>, vector<1x16xf32>,
        %get3A_267 = arith.index_cast %add3A_30 : i32 to index
        %get3A_268 = arith.constant 272 : index
        %get3A_269 = tpu.vector_load %arg7[%get3A_267, %get3A_268] {strides = array<i32>} : memref<64x768xf32, #tpu.memory_space<vmem>>, vector<1x16xf32>,
        %get3A_270 = vector.shape_cast %get3A_269 : vector<1x16xf32> to vector<1x16xf32>
        %get3A_271 = arith.index_cast %add3A_30 : i32 to index
        %get3A_272 = arith.constant 272 : index
        %get3A_273 = tpu.vector_load %arg8[%get3A_271, %get3A_272] {strides = array<i32>} : memref<64x768xf32, #tpu.memory_space<vmem>>, vector<1x16xf32>,
        %get3A_274 = vector.shape_cast %get3A_273 : vector<1x16xf32> to vector<1x16xf32>
        %add3A_275 = arith.addf %get3A_270, %get3A_274 : vector<1x16xf32>
        %swap3A_276 = arith.index_cast %add3A_30 : i32 to index
        %swap3A_277 = arith.constant 272 : index
        %swap3A_278 = tpu.vector_load %arg7[%swap3A_276, %swap3A_277] {strides = array<i32>} : memref<64x768xf32, #tpu.memory_space<vmem>>, vector<1x16xf32>,
        %swap3A_279 = vector.shape_cast %swap3A_278 : vector<1x16xf32> to vector<1x16xf32>
        %swap3A_280 = vector.shape_cast %add3A_275 : vector<1x16xf32> to vector<1x16xf32>
        tpu.vector_store %arg7[%swap3A_276, %swap3A_277], %swap3A_280 {strides = array<i32>} : memref<64x768xf32, #tpu.memory_space<vmem>>, vector<1x16xf32>,
        %get3A_281 = arith.index_cast %add3A_30 : i32 to index
        %get3A_282 = arith.constant 288 : index
        %get3A_283 = tpu.vector_load %arg7[%get3A_281, %get3A_282] {strides = array<i32>} : memref<64x768xf32, #tpu.memory_space<vmem>>, vector<1x16xf32>,
        %get3A_284 = vector.shape_cast %get3A_283 : vector<1x16xf32> to vector<1x16xf32>
        %get3A_285 = arith.index_cast %add3A_30 : i32 to index
        %get3A_286 = arith.constant 288 : index
        %get3A_287 = tpu.vector_load %arg8[%get3A_285, %get3A_286] {strides = array<i32>} : memref<64x768xf32, #tpu.memory_space<vmem>>, vector<1x16xf32>,
        %get3A_288 = vector.shape_cast %get3A_287 : vector<1x16xf32> to vector<1x16xf32>
        %add3A_289 = arith.addf %get3A_284, %get3A_288 : vector<1x16xf32>
        %swap3A_290 = arith.index_cast %add3A_30 : i32 to index
        %swap3A_291 = arith.constant 288 : index
        %swap3A_292 = tpu.vector_load %arg7[%swap3A_290, %swap3A_291] {strides = array<i32>} : memref<64x768xf32, #tpu.memory_space<vmem>>, vector<1x16xf32>,
        %swap3A_293 = vector.shape_cast %swap3A_292 : vector<1x16xf32> to vector<1x16xf32>
        %swap3A_294 = vector.shape_cast %add3A_289 : vector<1x16xf32> to vector<1x16xf32>
        tpu.vector_store %arg7[%swap3A_290, %swap3A_291], %swap3A_294 {strides = array<i32>} : memref<64x768xf32, #tpu.memory_space<vmem>>, vector<1x16xf32>,
        %get3A_295 = arith.index_cast %add3A_30 : i32 to index
        %get3A_296 = arith.constant 304 : index
        %get3A_297 = tpu.vector_load %arg7[%get3A_295, %get3A_296] {strides = array<i32>} : memref<64x768xf32, #tpu.memory_space<vmem>>, vector<1x16xf32>,
        %get3A_298 = vector.shape_cast %get3A_297 : vector<1x16xf32> to vector<1x16xf32>
        %get3A_299 = arith.index_cast %add3A_30 : i32 to index
        %get3A_300 = arith.constant 304 : index
        %get3A_301 = tpu.vector_load %arg8[%get3A_299, %get3A_300] {strides = array<i32>} : memref<64x768xf32, #tpu.memory_space<vmem>>, vector<1x16xf32>,
        %get3A_302 = vector.shape_cast %get3A_301 : vector<1x16xf32> to vector<1x16xf32>
        %add3A_303 = arith.addf %get3A_298, %get3A_302 : vector<1x16xf32>
        %swap3A_304 = arith.index_cast %add3A_30 : i32 to index
        %swap3A_305 = arith.constant 304 : index
        %swap3A_306 = tpu.vector_load %arg7[%swap3A_304, %swap3A_305] {strides = array<i32>} : memref<64x768xf32, #tpu.memory_space<vmem>>, vector<1x16xf32>,
        %swap3A_307 = vector.shape_cast %swap3A_306 : vector<1x16xf32> to vector<1x16xf32>
        %swap3A_308 = vector.shape_cast %add3A_303 : vector<1x16xf32> to vector<1x16xf32>
        tpu.vector_store %arg7[%swap3A_304, %swap3A_305], %swap3A_308 {strides = array<i32>} : memref<64x768xf32, #tpu.memory_space<vmem>>, vector<1x16xf32>,
        %get3A_309 = arith.index_cast %add3A_30 : i32 to index
        %get3A_310 = arith.constant 320 : index
        %get3A_311 = tpu.vector_load %arg7[%get3A_309, %get3A_310] {strides = array<i32>} : memref<64x768xf32, #tpu.memory_space<vmem>>, vector<1x16xf32>,
        %get3A_312 = vector.shape_cast %get3A_311 : vector<1x16xf32> to vector<1x16xf32>
        %get3A_313 = arith.index_cast %add3A_30 : i32 to index
        %get3A_314 = arith.constant 320 : index
        %get3A_315 = tpu.vector_load %arg8[%get3A_313, %get3A_314] {strides = array<i32>} : memref<64x768xf32, #tpu.memory_space<vmem>>, vector<1x16xf32>,
        %get3A_316 = vector.shape_cast %get3A_315 : vector<1x16xf32> to vector<1x16xf32>
        %add3A_317 = arith.addf %get3A_312, %get3A_316 : vector<1x16xf32>
        %swap3A_318 = arith.index_cast %add3A_30 : i32 to index
        %swap3A_319 = arith.constant 320 : index
        %swap3A_320 = tpu.vector_load %arg7[%swap3A_318, %swap3A_319] {strides = array<i32>} : memref<64x768xf32, #tpu.memory_space<vmem>>, vector<1x16xf32>,
        %swap3A_321 = vector.shape_cast %swap3A_320 : vector<1x16xf32> to vector<1x16xf32>
        %swap3A_322 = vector.shape_cast %add3A_317 : vector<1x16xf32> to vector<1x16xf32>
        tpu.vector_store %arg7[%swap3A_318, %swap3A_319], %swap3A_322 {strides = array<i32>} : memref<64x768xf32, #tpu.memory_space<vmem>>, vector<1x16xf32>,
        %get3A_323 = arith.index_cast %add3A_30 : i32 to index
        %get3A_324 = arith.constant 336 : index
        %get3A_325 = tpu.vector_load %arg7[%get3A_323, %get3A_324] {strides = array<i32>} : memref<64x768xf32, #tpu.memory_space<vmem>>, vector<1x16xf32>,
        %get3A_326 = vector.shape_cast %get3A_325 : vector<1x16xf32> to vector<1x16xf32>
        %get3A_327 = arith.index_cast %add3A_30 : i32 to index
        %get3A_328 = arith.constant 336 : index
        %get3A_329 = tpu.vector_load %arg8[%get3A_327, %get3A_328] {strides = array<i32>} : memref<64x768xf32, #tpu.memory_space<vmem>>, vector<1x16xf32>,
        %get3A_330 = vector.shape_cast %get3A_329 : vector<1x16xf32> to vector<1x16xf32>
        %add3A_331 = arith.addf %get3A_326, %get3A_330 : vector<1x16xf32>
        %swap3A_332 = arith.index_cast %add3A_30 : i32 to index
        %swap3A_333 = arith.constant 336 : index
        %swap3A_334 = tpu.vector_load %arg7[%swap3A_332, %swap3A_333] {strides = array<i32>} : memref<64x768xf32, #tpu.memory_space<vmem>>, vector<1x16xf32>,
        %swap3A_335 = vector.shape_cast %swap3A_334 : vector<1x16xf32> to vector<1x16xf32>
        %swap3A_336 = vector.shape_cast %add3A_331 : vector<1x16xf32> to vector<1x16xf32>
        tpu.vector_store %arg7[%swap3A_332, %swap3A_333], %swap3A_336 {strides = array<i32>} : memref<64x768xf32, #tpu.memory_space<vmem>>, vector<1x16xf32>,
        %get3A_337 = arith.index_cast %add3A_30 : i32 to index
        %get3A_338 = arith.constant 352 : index
        %get3A_339 = tpu.vector_load %arg7[%get3A_337, %get3A_338] {strides = array<i32>} : memref<64x768xf32, #tpu.memory_space<vmem>>, vector<1x16xf32>,
        %get3A_340 = vector.shape_cast %get3A_339 : vector<1x16xf32> to vector<1x16xf32>
        %get3A_341 = arith.index_cast %add3A_30 : i32 to index
        %get3A_342 = arith.constant 352 : index
        %get3A_343 = tpu.vector_load %arg8[%get3A_341, %get3A_342] {strides = array<i32>} : memref<64x768xf32, #tpu.memory_space<vmem>>, vector<1x16xf32>,
        %get3A_344 = vector.shape_cast %get3A_343 : vector<1x16xf32> to vector<1x16xf32>
        %add3A_345 = arith.addf %get3A_340, %get3A_344 : vector<1x16xf32>
        %swap3A_346 = arith.index_cast %add3A_30 : i32 to index
        %swap3A_347 = arith.constant 352 : index
        %swap3A_348 = tpu.vector_load %arg7[%swap3A_346, %swap3A_347] {strides = array<i32>} : memref<64x768xf32, #tpu.memory_space<vmem>>, vector<1x16xf32>,
        %swap3A_349 = vector.shape_cast %swap3A_348 : vector<1x16xf32> to vector<1x16xf32>
        %swap3A_350 = vector.shape_cast %add3A_345 : vector<1x16xf32> to vector<1x16xf32>
        tpu.vector_store %arg7[%swap3A_346, %swap3A_347], %swap3A_350 {strides = array<i32>} : memref<64x768xf32, #tpu.memory_space<vmem>>, vector<1x16xf32>,
        %get3A_351 = arith.index_cast %add3A_30 : i32 to index
        %get3A_352 = arith.constant 368 : index
        %get3A_353 = tpu.vector_load %arg7[%get3A_351, %get3A_352] {strides = array<i32>} : memref<64x768xf32, #tpu.memory_space<vmem>>, vector<1x16xf32>,
        %get3A_354 = vector.shape_cast %get3A_353 : vector<1x16xf32> to vector<1x16xf32>
        %get3A_355 = arith.index_cast %add3A_30 : i32 to index
        %get3A_356 = arith.constant 368 : index
        %get3A_357 = tpu.vector_load %arg8[%get3A_355, %get3A_356] {strides = array<i32>} : memref<64x768xf32, #tpu.memory_space<vmem>>, vector<1x16xf32>,
        %get3A_358 = vector.shape_cast %get3A_357 : vector<1x16xf32> to vector<1x16xf32>
        %add3A_359 = arith.addf %get3A_354, %get3A_358 : vector<1x16xf32>
        %swap3A_360 = arith.index_cast %add3A_30 : i32 to index
        %swap3A_361 = arith.constant 368 : index
        %swap3A_362 = tpu.vector_load %arg7[%swap3A_360, %swap3A_361] {strides = array<i32>} : memref<64x768xf32, #tpu.memory_space<vmem>>, vector<1x16xf32>,
        %swap3A_363 = vector.shape_cast %swap3A_362 : vector<1x16xf32> to vector<1x16xf32>
        %swap3A_364 = vector.shape_cast %add3A_359 : vector<1x16xf32> to vector<1x16xf32>
        tpu.vector_store %arg7[%swap3A_360, %swap3A_361], %swap3A_364 {strides = array<i32>} : memref<64x768xf32, #tpu.memory_space<vmem>>, vector<1x16xf32>,
        %get3A_365 = arith.index_cast %add3A_30 : i32 to index
        %get3A_366 = arith.constant 384 : index
        %get3A_367 = tpu.vector_load %arg7[%get3A_365, %get3A_366] {strides = array<i32>} : memref<64x768xf32, #tpu.memory_space<vmem>>, vector<1x16xf32>,
        %get3A_368 = vector.shape_cast %get3A_367 : vector<1x16xf32> to vector<1x16xf32>
        %get3A_369 = arith.index_cast %add3A_30 : i32 to index
        %get3A_370 = arith.constant 384 : index
        %get3A_371 = tpu.vector_load %arg8[%get3A_369, %get3A_370] {strides = array<i32>} : memref<64x768xf32, #tpu.memory_space<vmem>>, vector<1x16xf32>,
        %get3A_372 = vector.shape_cast %get3A_371 : vector<1x16xf32> to vector<1x16xf32>
        %add3A_373 = arith.addf %get3A_368, %get3A_372 : vector<1x16xf32>
        %swap3A_374 = arith.index_cast %add3A_30 : i32 to index
        %swap3A_375 = arith.constant 384 : index
        %swap3A_376 = tpu.vector_load %arg7[%swap3A_374, %swap3A_375] {strides = array<i32>} : memref<64x768xf32, #tpu.memory_space<vmem>>, vector<1x16xf32>,
        %swap3A_377 = vector.shape_cast %swap3A_376 : vector<1x16xf32> to vector<1x16xf32>
        %swap3A_378 = vector.shape_cast %add3A_373 : vector<1x16xf32> to vector<1x16xf32>
        tpu.vector_store %arg7[%swap3A_374, %swap3A_375], %swap3A_378 {strides = array<i32>} : memref<64x768xf32, #tpu.memory_space<vmem>>, vector<1x16xf32>,
        %get3A_379 = arith.index_cast %add3A_30 : i32 to index
        %get3A_380 = arith.constant 400 : index
        %get3A_381 = tpu.vector_load %arg7[%get3A_379, %get3A_380] {strides = array<i32>} : memref<64x768xf32, #tpu.memory_space<vmem>>, vector<1x16xf32>,
        %get3A_382 = vector.shape_cast %get3A_381 : vector<1x16xf32> to vector<1x16xf32>
        %get3A_383 = arith.index_cast %add3A_30 : i32 to index
        %get3A_384 = arith.constant 400 : index
        %get3A_385 = tpu.vector_load %arg8[%get3A_383, %get3A_384] {strides = array<i32>} : memref<64x768xf32, #tpu.memory_space<vmem>>, vector<1x16xf32>,
        %get3A_386 = vector.shape_cast %get3A_385 : vector<1x16xf32> to vector<1x16xf32>
        %add3A_387 = arith.addf %get3A_382, %get3A_386 : vector<1x16xf32>
        %swap3A_388 = arith.index_cast %add3A_30 : i32 to index
        %swap3A_389 = arith.constant 400 : index
        %swap3A_390 = tpu.vector_load %arg7[%swap3A_388, %swap3A_389] {strides = array<i32>} : memref<64x768xf32, #tpu.memory_space<vmem>>, vector<1x16xf32>,
        %swap3A_391 = vector.shape_cast %swap3A_390 : vector<1x16xf32> to vector<1x16xf32>
        %swap3A_392 = vector.shape_cast %add3A_387 : vector<1x16xf32> to vector<1x16xf32>
        tpu.vector_store %arg7[%swap3A_388, %swap3A_389], %swap3A_392 {strides = array<i32>} : memref<64x768xf32, #tpu.memory_space<vmem>>, vector<1x16xf32>,
        %get3A_393 = arith.index_cast %add3A_30 : i32 to index
        %get3A_394 = arith.constant 416 : index
        %get3A_395 = tpu.vector_load %arg7[%get3A_393, %get3A_394] {strides = array<i32>} : memref<64x768xf32, #tpu.memory_space<vmem>>, vector<1x16xf32>,
        %get3A_396 = vector.shape_cast %get3A_395 : vector<1x16xf32> to vector<1x16xf32>
        %get3A_397 = arith.index_cast %add3A_30 : i32 to index
        %get3A_398 = arith.constant 416 : index
        %get3A_399 = tpu.vector_load %arg8[%get3A_397, %get3A_398] {strides = array<i32>} : memref<64x768xf32, #tpu.memory_space<vmem>>, vector<1x16xf32>,
        %get3A_400 = vector.shape_cast %get3A_399 : vector<1x16xf32> to vector<1x16xf32>
        %add3A_401 = arith.addf %get3A_396, %get3A_400 : vector<1x16xf32>
        %swap3A_402 = arith.index_cast %add3A_30 : i32 to index
        %swap3A_403 = arith.constant 416 : index
        %swap3A_404 = tpu.vector_load %arg7[%swap3A_402, %swap3A_403] {strides = array<i32>} : memref<64x768xf32, #tpu.memory_space<vmem>>, vector<1x16xf32>,
        %swap3A_405 = vector.shape_cast %swap3A_404 : vector<1x16xf32> to vector<1x16xf32>
        %swap3A_406 = vector.shape_cast %add3A_401 : vector<1x16xf32> to vector<1x16xf32>
        tpu.vector_store %arg7[%swap3A_402, %swap3A_403], %swap3A_406 {strides = array<i32>} : memref<64x768xf32, #tpu.memory_space<vmem>>, vector<1x16xf32>,
        %get3A_407 = arith.index_cast %add3A_30 : i32 to index
        %get3A_408 = arith.constant 432 : index
        %get3A_409 = tpu.vector_load %arg7[%get3A_407, %get3A_408] {strides = array<i32>} : memref<64x768xf32, #tpu.memory_space<vmem>>, vector<1x16xf32>,
        %get3A_410 = vector.shape_cast %get3A_409 : vector<1x16xf32> to vector<1x16xf32>
        %get3A_411 = arith.index_cast %add3A_30 : i32 to index
        %get3A_412 = arith.constant 432 : index
        %get3A_413 = tpu.vector_load %arg8[%get3A_411, %get3A_412] {strides = array<i32>} : memref<64x768xf32, #tpu.memory_space<vmem>>, vector<1x16xf32>,
        %get3A_414 = vector.shape_cast %get3A_413 : vector<1x16xf32> to vector<1x16xf32>
        %add3A_415 = arith.addf %get3A_410, %get3A_414 : vector<1x16xf32>
        %swap3A_416 = arith.index_cast %add3A_30 : i32 to index
        %swap3A_417 = arith.constant 432 : index
        %swap3A_418 = tpu.vector_load %arg7[%swap3A_416, %swap3A_417] {strides = array<i32>} : memref<64x768xf32, #tpu.memory_space<vmem>>, vector<1x16xf32>,
        %swap3A_419 = vector.shape_cast %swap3A_418 : vector<1x16xf32> to vector<1x16xf32>
        %swap3A_420 = vector.shape_cast %add3A_415 : vector<1x16xf32> to vector<1x16xf32>
        tpu.vector_store %arg7[%swap3A_416, %swap3A_417], %swap3A_420 {strides = array<i32>} : memref<64x768xf32, #tpu.memory_space<vmem>>, vector<1x16xf32>,
        %get3A_421 = arith.index_cast %add3A_30 : i32 to index
        %get3A_422 = arith.constant 448 : index
        %get3A_423 = tpu.vector_load %arg7[%get3A_421, %get3A_422] {strides = array<i32>} : memref<64x768xf32, #tpu.memory_space<vmem>>, vector<1x16xf32>,
        %get3A_424 = vector.shape_cast %get3A_423 : vector<1x16xf32> to vector<1x16xf32>
        %get3A_425 = arith.index_cast %add3A_30 : i32 to index
        %get3A_426 = arith.constant 448 : index
        %get3A_427 = tpu.vector_load %arg8[%get3A_425, %get3A_426] {strides = array<i32>} : memref<64x768xf32, #tpu.memory_space<vmem>>, vector<1x16xf32>,
        %get3A_428 = vector.shape_cast %get3A_427 : vector<1x16xf32> to vector<1x16xf32>
        %add3A_429 = arith.addf %get3A_424, %get3A_428 : vector<1x16xf32>
        %swap3A_430 = arith.index_cast %add3A_30 : i32 to index
        %swap3A_431 = arith.constant 448 : index
        %swap3A_432 = tpu.vector_load %arg7[%swap3A_430, %swap3A_431] {strides = array<i32>} : memref<64x768xf32, #tpu.memory_space<vmem>>, vector<1x16xf32>,
        %swap3A_433 = vector.shape_cast %swap3A_432 : vector<1x16xf32> to vector<1x16xf32>
        %swap3A_434 = vector.shape_cast %add3A_429 : vector<1x16xf32> to vector<1x16xf32>
        tpu.vector_store %arg7[%swap3A_430, %swap3A_431], %swap3A_434 {strides = array<i32>} : memref<64x768xf32, #tpu.memory_space<vmem>>, vector<1x16xf32>,
        %get3A_435 = arith.index_cast %add3A_30 : i32 to index
        %get3A_436 = arith.constant 464 : index
        %get3A_437 = tpu.vector_load %arg7[%get3A_435, %get3A_436] {strides = array<i32>} : memref<64x768xf32, #tpu.memory_space<vmem>>, vector<1x16xf32>,
        %get3A_438 = vector.shape_cast %get3A_437 : vector<1x16xf32> to vector<1x16xf32>
        %get3A_439 = arith.index_cast %add3A_30 : i32 to index
        %get3A_440 = arith.constant 464 : index
        %get3A_441 = tpu.vector_load %arg8[%get3A_439, %get3A_440] {strides = array<i32>} : memref<64x768xf32, #tpu.memory_space<vmem>>, vector<1x16xf32>,
        %get3A_442 = vector.shape_cast %get3A_441 : vector<1x16xf32> to vector<1x16xf32>
        %add3A_443 = arith.addf %get3A_438, %get3A_442 : vector<1x16xf32>
        %swap3A_444 = arith.index_cast %add3A_30 : i32 to index
        %swap3A_445 = arith.constant 464 : index
        %swap3A_446 = tpu.vector_load %arg7[%swap3A_444, %swap3A_445] {strides = array<i32>} : memref<64x768xf32, #tpu.memory_space<vmem>>, vector<1x16xf32>,
        %swap3A_447 = vector.shape_cast %swap3A_446 : vector<1x16xf32> to vector<1x16xf32>
        %swap3A_448 = vector.shape_cast %add3A_443 : vector<1x16xf32> to vector<1x16xf32>
        tpu.vector_store %arg7[%swap3A_444, %swap3A_445], %swap3A_448 {strides = array<i32>} : memref<64x768xf32, #tpu.memory_space<vmem>>, vector<1x16xf32>,
        %get3A_449 = arith.index_cast %add3A_30 : i32 to index
        %get3A_450 = arith.constant 480 : index
        %get3A_451 = tpu.vector_load %arg7[%get3A_449, %get3A_450] {strides = array<i32>} : memref<64x768xf32, #tpu.memory_space<vmem>>, vector<1x16xf32>,
        %get3A_452 = vector.shape_cast %get3A_451 : vector<1x16xf32> to vector<1x16xf32>
        %get3A_453 = arith.index_cast %add3A_30 : i32 to index
        %get3A_454 = arith.constant 480 : index
        %get3A_455 = tpu.vector_load %arg8[%get3A_453, %get3A_454] {strides = array<i32>} : memref<64x768xf32, #tpu.memory_space<vmem>>, vector<1x16xf32>,
        %get3A_456 = vector.shape_cast %get3A_455 : vector<1x16xf32> to vector<1x16xf32>
        %add3A_457 = arith.addf %get3A_452, %get3A_456 : vector<1x16xf32>
        %swap3A_458 = arith.index_cast %add3A_30 : i32 to index
        %swap3A_459 = arith.constant 480 : index
        %swap3A_460 = tpu.vector_load %arg7[%swap3A_458, %swap3A_459] {strides = array<i32>} : memref<64x768xf32, #tpu.memory_space<vmem>>, vector<1x16xf32>,
        %swap3A_461 = vector.shape_cast %swap3A_460 : vector<1x16xf32> to vector<1x16xf32>
        %swap3A_462 = vector.shape_cast %add3A_457 : vector<1x16xf32> to vector<1x16xf32>
        tpu.vector_store %arg7[%swap3A_458, %swap3A_459], %swap3A_462 {strides = array<i32>} : memref<64x768xf32, #tpu.memory_space<vmem>>, vector<1x16xf32>,
        %get3A_463 = arith.index_cast %add3A_30 : i32 to index
        %get3A_464 = arith.constant 496 : index
        %get3A_465 = tpu.vector_load %arg7[%get3A_463, %get3A_464] {strides = array<i32>} : memref<64x768xf32, #tpu.memory_space<vmem>>, vector<1x16xf32>,
        %get3A_466 = vector.shape_cast %get3A_465 : vector<1x16xf32> to vector<1x16xf32>
        %get3A_467 = arith.index_cast %add3A_30 : i32 to index
        %get3A_468 = arith.constant 496 : index
        %get3A_469 = tpu.vector_load %arg8[%get3A_467, %get3A_468] {strides = array<i32>} : memref<64x768xf32, #tpu.memory_space<vmem>>, vector<1x16xf32>,
        %get3A_470 = vector.shape_cast %get3A_469 : vector<1x16xf32> to vector<1x16xf32>
        %add3A_471 = arith.addf %get3A_466, %get3A_470 : vector<1x16xf32>
        %swap3A_472 = arith.index_cast %add3A_30 : i32 to index
        %swap3A_473 = arith.constant 496 : index
        %swap3A_474 = tpu.vector_load %arg7[%swap3A_472, %swap3A_473] {strides = array<i32>} : memref<64x768xf32, #tpu.memory_space<vmem>>, vector<1x16xf32>,
        %swap3A_475 = vector.shape_cast %swap3A_474 : vector<1x16xf32> to vector<1x16xf32>
        %swap3A_476 = vector.shape_cast %add3A_471 : vector<1x16xf32> to vector<1x16xf32>
        tpu.vector_store %arg7[%swap3A_472, %swap3A_473], %swap3A_476 {strides = array<i32>} : memref<64x768xf32, #tpu.memory_space<vmem>>, vector<1x16xf32>,
        %get3A_477 = arith.index_cast %add3A_30 : i32 to index
        %get3A_478 = arith.constant 512 : index
        %get3A_479 = tpu.vector_load %arg7[%get3A_477, %get3A_478] {strides = array<i32>} : memref<64x768xf32, #tpu.memory_space<vmem>>, vector<1x16xf32>,
        %get3A_480 = vector.shape_cast %get3A_479 : vector<1x16xf32> to vector<1x16xf32>
        %get3A_481 = arith.index_cast %add3A_30 : i32 to index
        %get3A_482 = arith.constant 512 : index
        %get3A_483 = tpu.vector_load %arg8[%get3A_481, %get3A_482] {strides = array<i32>} : memref<64x768xf32, #tpu.memory_space<vmem>>, vector<1x16xf32>,
        %get3A_484 = vector.shape_cast %get3A_483 : vector<1x16xf32> to vector<1x16xf32>
        %add3A_485 = arith.addf %get3A_480, %get3A_484 : vector<1x16xf32>
        %swap3A_486 = arith.index_cast %add3A_30 : i32 to index
        %swap3A_487 = arith.constant 512 : index
        %swap3A_488 = tpu.vector_load %arg7[%swap3A_486, %swap3A_487] {strides = array<i32>} : memref<64x768xf32, #tpu.memory_space<vmem>>, vector<1x16xf32>,
        %swap3A_489 = vector.shape_cast %swap3A_488 : vector<1x16xf32> to vector<1x16xf32>
        %swap3A_490 = vector.shape_cast %add3A_485 : vector<1x16xf32> to vector<1x16xf32>
        tpu.vector_store %arg7[%swap3A_486, %swap3A_487], %swap3A_490 {strides = array<i32>} : memref<64x768xf32, #tpu.memory_space<vmem>>, vector<1x16xf32>,
        %get3A_491 = arith.index_cast %add3A_30 : i32 to index
        %get3A_492 = arith.constant 528 : index
        %get3A_493 = tpu.vector_load %arg7[%get3A_491, %get3A_492] {strides = array<i32>} : memref<64x768xf32, #tpu.memory_space<vmem>>, vector<1x16xf32>,
        %get3A_494 = vector.shape_cast %get3A_493 : vector<1x16xf32> to vector<1x16xf32>
        %get3A_495 = arith.index_cast %add3A_30 : i32 to index
        %get3A_496 = arith.constant 528 : index
        %get3A_497 = tpu.vector_load %arg8[%get3A_495, %get3A_496] {strides = array<i32>} : memref<64x768xf32, #tpu.memory_space<vmem>>, vector<1x16xf32>,
        %get3A_498 = vector.shape_cast %get3A_497 : vector<1x16xf32> to vector<1x16xf32>
        %add3A_499 = arith.addf %get3A_494, %get3A_498 : vector<1x16xf32>
        %swap3A_500 = arith.index_cast %add3A_30 : i32 to index
        %swap3A_501 = arith.constant 528 : index
        %swap3A_502 = tpu.vector_load %arg7[%swap3A_500, %swap3A_501] {strides = array<i32>} : memref<64x768xf32, #tpu.memory_space<vmem>>, vector<1x16xf32>,
        %swap3A_503 = vector.shape_cast %swap3A_502 : vector<1x16xf32> to vector<1x16xf32>
        %swap3A_504 = vector.shape_cast %add3A_499 : vector<1x16xf32> to vector<1x16xf32>
        tpu.vector_store %arg7[%swap3A_500, %swap3A_501], %swap3A_504 {strides = array<i32>} : memref<64x768xf32, #tpu.memory_space<vmem>>, vector<1x16xf32>,
        %get3A_505 = arith.index_cast %add3A_30 : i32 to index
        %get3A_506 = arith.constant 544 : index
        %get3A_507 = tpu.vector_load %arg7[%get3A_505, %get3A_506] {strides = array<i32>} : memref<64x768xf32, #tpu.memory_space<vmem>>, vector<1x16xf32>,
        %get3A_508 = vector.shape_cast %get3A_507 : vector<1x16xf32> to vector<1x16xf32>
        %get3A_509 = arith.index_cast %add3A_30 : i32 to index
        %get3A_510 = arith.constant 544 : index
        %get3A_511 = tpu.vector_load %arg8[%get3A_509, %get3A_510] {strides = array<i32>} : memref<64x768xf32, #tpu.memory_space<vmem>>, vector<1x16xf32>,
        %get3A_512 = vector.shape_cast %get3A_511 : vector<1x16xf32> to vector<1x16xf32>
        %add3A_513 = arith.addf %get3A_508, %get3A_512 : vector<1x16xf32>
        %swap3A_514 = arith.index_cast %add3A_30 : i32 to index
        %swap3A_515 = arith.constant 544 : index
        %swap3A_516 = tpu.vector_load %arg7[%swap3A_514, %swap3A_515] {strides = array<i32>} : memref<64x768xf32, #tpu.memory_space<vmem>>, vector<1x16xf32>,
        %swap3A_517 = vector.shape_cast %swap3A_516 : vector<1x16xf32> to vector<1x16xf32>
        %swap3A_518 = vector.shape_cast %add3A_513 : vector<1x16xf32> to vector<1x16xf32>
        tpu.vector_store %arg7[%swap3A_514, %swap3A_515], %swap3A_518 {strides = array<i32>} : memref<64x768xf32, #tpu.memory_space<vmem>>, vector<1x16xf32>,
        %get3A_519 = arith.index_cast %add3A_30 : i32 to index
        %get3A_520 = arith.constant 560 : index
        %get3A_521 = tpu.vector_load %arg7[%get3A_519, %get3A_520] {strides = array<i32>} : memref<64x768xf32, #tpu.memory_space<vmem>>, vector<1x16xf32>,
        %get3A_522 = vector.shape_cast %get3A_521 : vector<1x16xf32> to vector<1x16xf32>
        %get3A_523 = arith.index_cast %add3A_30 : i32 to index
        %get3A_524 = arith.constant 560 : index
        %get3A_525 = tpu.vector_load %arg8[%get3A_523, %get3A_524] {strides = array<i32>} : memref<64x768xf32, #tpu.memory_space<vmem>>, vector<1x16xf32>,
        %get3A_526 = vector.shape_cast %get3A_525 : vector<1x16xf32> to vector<1x16xf32>
        %add3A_527 = arith.addf %get3A_522, %get3A_526 : vector<1x16xf32>
        %swap3A_528 = arith.index_cast %add3A_30 : i32 to index
        %swap3A_529 = arith.constant 560 : index
        %swap3A_530 = tpu.vector_load %arg7[%swap3A_528, %swap3A_529] {strides = array<i32>} : memref<64x768xf32, #tpu.memory_space<vmem>>, vector<1x16xf32>,
        %swap3A_531 = vector.shape_cast %swap3A_530 : vector<1x16xf32> to vector<1x16xf32>
        %swap3A_532 = vector.shape_cast %add3A_527 : vector<1x16xf32> to vector<1x16xf32>
        tpu.vector_store %arg7[%swap3A_528, %swap3A_529], %swap3A_532 {strides = array<i32>} : memref<64x768xf32, #tpu.memory_space<vmem>>, vector<1x16xf32>,
        %get3A_533 = arith.index_cast %add3A_30 : i32 to index
        %get3A_534 = arith.constant 576 : index
        %get3A_535 = tpu.vector_load %arg7[%get3A_533, %get3A_534] {strides = array<i32>} : memref<64x768xf32, #tpu.memory_space<vmem>>, vector<1x16xf32>,
        %get3A_536 = vector.shape_cast %get3A_535 : vector<1x16xf32> to vector<1x16xf32>
        %get3A_537 = arith.index_cast %add3A_30 : i32 to index
        %get3A_538 = arith.constant 576 : index
        %get3A_539 = tpu.vector_load %arg8[%get3A_537, %get3A_538] {strides = array<i32>} : memref<64x768xf32, #tpu.memory_space<vmem>>, vector<1x16xf32>,
        %get3A_540 = vector.shape_cast %get3A_539 : vector<1x16xf32> to vector<1x16xf32>
        %add3A_541 = arith.addf %get3A_536, %get3A_540 : vector<1x16xf32>
        %swap3A_542 = arith.index_cast %add3A_30 : i32 to index
        %swap3A_543 = arith.constant 576 : index
        %swap3A_544 = tpu.vector_load %arg7[%swap3A_542, %swap3A_543] {strides = array<i32>} : memref<64x768xf32, #tpu.memory_space<vmem>>, vector<1x16xf32>,
        %swap3A_545 = vector.shape_cast %swap3A_544 : vector<1x16xf32> to vector<1x16xf32>
        %swap3A_546 = vector.shape_cast %add3A_541 : vector<1x16xf32> to vector<1x16xf32>
        tpu.vector_store %arg7[%swap3A_542, %swap3A_543], %swap3A_546 {strides = array<i32>} : memref<64x768xf32, #tpu.memory_space<vmem>>, vector<1x16xf32>,
        %get3A_547 = arith.index_cast %add3A_30 : i32 to index
        %get3A_548 = arith.constant 592 : index
        %get3A_549 = tpu.vector_load %arg7[%get3A_547, %get3A_548] {strides = array<i32>} : memref<64x768xf32, #tpu.memory_space<vmem>>, vector<1x16xf32>,
        %get3A_550 = vector.shape_cast %get3A_549 : vector<1x16xf32> to vector<1x16xf32>
        %get3A_551 = arith.index_cast %add3A_30 : i32 to index
        %get3A_552 = arith.constant 592 : index
        %get3A_553 = tpu.vector_load %arg8[%get3A_551, %get3A_552] {strides = array<i32>} : memref<64x768xf32, #tpu.memory_space<vmem>>, vector<1x16xf32>,
        %get3A_554 = vector.shape_cast %get3A_553 : vector<1x16xf32> to vector<1x16xf32>
        %add3A_555 = arith.addf %get3A_550, %get3A_554 : vector<1x16xf32>
        %swap3A_556 = arith.index_cast %add3A_30 : i32 to index
        %swap3A_557 = arith.constant 592 : index
        %swap3A_558 = tpu.vector_load %arg7[%swap3A_556, %swap3A_557] {strides = array<i32>} : memref<64x768xf32, #tpu.memory_space<vmem>>, vector<1x16xf32>,
        %swap3A_559 = vector.shape_cast %swap3A_558 : vector<1x16xf32> to vector<1x16xf32>
        %swap3A_560 = vector.shape_cast %add3A_555 : vector<1x16xf32> to vector<1x16xf32>
        tpu.vector_store %arg7[%swap3A_556, %swap3A_557], %swap3A_560 {strides = array<i32>} : memref<64x768xf32, #tpu.memory_space<vmem>>, vector<1x16xf32>,
        %get3A_561 = arith.index_cast %add3A_30 : i32 to index
        %get3A_562 = arith.constant 608 : index
        %get3A_563 = tpu.vector_load %arg7[%get3A_561, %get3A_562] {strides = array<i32>} : memref<64x768xf32, #tpu.memory_space<vmem>>, vector<1x16xf32>,
        %get3A_564 = vector.shape_cast %get3A_563 : vector<1x16xf32> to vector<1x16xf32>
        %get3A_565 = arith.index_cast %add3A_30 : i32 to index
        %get3A_566 = arith.constant 608 : index
        %get3A_567 = tpu.vector_load %arg8[%get3A_565, %get3A_566] {strides = array<i32>} : memref<64x768xf32, #tpu.memory_space<vmem>>, vector<1x16xf32>,
        %get3A_568 = vector.shape_cast %get3A_567 : vector<1x16xf32> to vector<1x16xf32>
        %add3A_569 = arith.addf %get3A_564, %get3A_568 : vector<1x16xf32>
        %swap3A_570 = arith.index_cast %add3A_30 : i32 to index
        %swap3A_571 = arith.constant 608 : index
        %swap3A_572 = tpu.vector_load %arg7[%swap3A_570, %swap3A_571] {strides = array<i32>} : memref<64x768xf32, #tpu.memory_space<vmem>>, vector<1x16xf32>,
        %swap3A_573 = vector.shape_cast %swap3A_572 : vector<1x16xf32> to vector<1x16xf32>
        %swap3A_574 = vector.shape_cast %add3A_569 : vector<1x16xf32> to vector<1x16xf32>
        tpu.vector_store %arg7[%swap3A_570, %swap3A_571], %swap3A_574 {strides = array<i32>} : memref<64x768xf32, #tpu.memory_space<vmem>>, vector<1x16xf32>,
        %get3A_575 = arith.index_cast %add3A_30 : i32 to index
        %get3A_576 = arith.constant 624 : index
        %get3A_577 = tpu.vector_load %arg7[%get3A_575, %get3A_576] {strides = array<i32>} : memref<64x768xf32, #tpu.memory_space<vmem>>, vector<1x16xf32>,
        %get3A_578 = vector.shape_cast %get3A_577 : vector<1x16xf32> to vector<1x16xf32>
        %get3A_579 = arith.index_cast %add3A_30 : i32 to index
        %get3A_580 = arith.constant 624 : index
        %get3A_581 = tpu.vector_load %arg8[%get3A_579, %get3A_580] {strides = array<i32>} : memref<64x768xf32, #tpu.memory_space<vmem>>, vector<1x16xf32>,
        %get3A_582 = vector.shape_cast %get3A_581 : vector<1x16xf32> to vector<1x16xf32>
        %add3A_583 = arith.addf %get3A_578, %get3A_582 : vector<1x16xf32>
        %swap3A_584 = arith.index_cast %add3A_30 : i32 to index
        %swap3A_585 = arith.constant 624 : index
        %swap3A_586 = tpu.vector_load %arg7[%swap3A_584, %swap3A_585] {strides = array<i32>} : memref<64x768xf32, #tpu.memory_space<vmem>>, vector<1x16xf32>,
        %swap3A_587 = vector.shape_cast %swap3A_586 : vector<1x16xf32> to vector<1x16xf32>
        %swap3A_588 = vector.shape_cast %add3A_583 : vector<1x16xf32> to vector<1x16xf32>
        tpu.vector_store %arg7[%swap3A_584, %swap3A_585], %swap3A_588 {strides = array<i32>} : memref<64x768xf32, #tpu.memory_space<vmem>>, vector<1x16xf32>,
        %get3A_589 = arith.index_cast %add3A_30 : i32 to index
        %get3A_590 = arith.constant 640 : index
        %get3A_591 = tpu.vector_load %arg7[%get3A_589, %get3A_590] {strides = array<i32>} : memref<64x768xf32, #tpu.memory_space<vmem>>, vector<1x16xf32>,
        %get3A_592 = vector.shape_cast %get3A_591 : vector<1x16xf32> to vector<1x16xf32>
        %get3A_593 = arith.index_cast %add3A_30 : i32 to index
        %get3A_594 = arith.constant 640 : index
        %get3A_595 = tpu.vector_load %arg8[%get3A_593, %get3A_594] {strides = array<i32>} : memref<64x768xf32, #tpu.memory_space<vmem>>, vector<1x16xf32>,
        %get3A_596 = vector.shape_cast %get3A_595 : vector<1x16xf32> to vector<1x16xf32>
        %add3A_597 = arith.addf %get3A_592, %get3A_596 : vector<1x16xf32>
        %swap3A_598 = arith.index_cast %add3A_30 : i32 to index
        %swap3A_599 = arith.constant 640 : index
        %swap3A_600 = tpu.vector_load %arg7[%swap3A_598, %swap3A_599] {strides = array<i32>} : memref<64x768xf32, #tpu.memory_space<vmem>>, vector<1x16xf32>,
        %swap3A_601 = vector.shape_cast %swap3A_600 : vector<1x16xf32> to vector<1x16xf32>
        %swap3A_602 = vector.shape_cast %add3A_597 : vector<1x16xf32> to vector<1x16xf32>
        tpu.vector_store %arg7[%swap3A_598, %swap3A_599], %swap3A_602 {strides = array<i32>} : memref<64x768xf32, #tpu.memory_space<vmem>>, vector<1x16xf32>,
        %get3A_603 = arith.index_cast %add3A_30 : i32 to index
        %get3A_604 = arith.constant 656 : index
        %get3A_605 = tpu.vector_load %arg7[%get3A_603, %get3A_604] {strides = array<i32>} : memref<64x768xf32, #tpu.memory_space<vmem>>, vector<1x16xf32>,
        %get3A_606 = vector.shape_cast %get3A_605 : vector<1x16xf32> to vector<1x16xf32>
        %get3A_607 = arith.index_cast %add3A_30 : i32 to index
        %get3A_608 = arith.constant 656 : index
        %get3A_609 = tpu.vector_load %arg8[%get3A_607, %get3A_608] {strides = array<i32>} : memref<64x768xf32, #tpu.memory_space<vmem>>, vector<1x16xf32>,
        %get3A_610 = vector.shape_cast %get3A_609 : vector<1x16xf32> to vector<1x16xf32>
        %add3A_611 = arith.addf %get3A_606, %get3A_610 : vector<1x16xf32>
        %swap3A_612 = arith.index_cast %add3A_30 : i32 to index
        %swap3A_613 = arith.constant 656 : index
        %swap3A_614 = tpu.vector_load %arg7[%swap3A_612, %swap3A_613] {strides = array<i32>} : memref<64x768xf32, #tpu.memory_space<vmem>>, vector<1x16xf32>,
        %swap3A_615 = vector.shape_cast %swap3A_614 : vector<1x16xf32> to vector<1x16xf32>
        %swap3A_616 = vector.shape_cast %add3A_611 : vector<1x16xf32> to vector<1x16xf32>
        tpu.vector_store %arg7[%swap3A_612, %swap3A_613], %swap3A_616 {strides = array<i32>} : memref<64x768xf32, #tpu.memory_space<vmem>>, vector<1x16xf32>,
        %get3A_617 = arith.index_cast %add3A_30 : i32 to index
        %get3A_618 = arith.constant 672 : index
        %get3A_619 = tpu.vector_load %arg7[%get3A_617, %get3A_618] {strides = array<i32>} : memref<64x768xf32, #tpu.memory_space<vmem>>, vector<1x16xf32>,
        %get3A_620 = vector.shape_cast %get3A_619 : vector<1x16xf32> to vector<1x16xf32>
        %get3A_621 = arith.index_cast %add3A_30 : i32 to index
        %get3A_622 = arith.constant 672 : index
        %get3A_623 = tpu.vector_load %arg8[%get3A_621, %get3A_622] {strides = array<i32>} : memref<64x768xf32, #tpu.memory_space<vmem>>, vector<1x16xf32>,
        %get3A_624 = vector.shape_cast %get3A_623 : vector<1x16xf32> to vector<1x16xf32>
        %add3A_625 = arith.addf %get3A_620, %get3A_624 : vector<1x16xf32>
        %swap3A_626 = arith.index_cast %add3A_30 : i32 to index
        %swap3A_627 = arith.constant 672 : index
        %swap3A_628 = tpu.vector_load %arg7[%swap3A_626, %swap3A_627] {strides = array<i32>} : memref<64x768xf32, #tpu.memory_space<vmem>>, vector<1x16xf32>,
        %swap3A_629 = vector.shape_cast %swap3A_628 : vector<1x16xf32> to vector<1x16xf32>
        %swap3A_630 = vector.shape_cast %add3A_625 : vector<1x16xf32> to vector<1x16xf32>
        tpu.vector_store %arg7[%swap3A_626, %swap3A_627], %swap3A_630 {strides = array<i32>} : memref<64x768xf32, #tpu.memory_space<vmem>>, vector<1x16xf32>,
        %get3A_631 = arith.index_cast %add3A_30 : i32 to index
        %get3A_632 = arith.constant 688 : index
        %get3A_633 = tpu.vector_load %arg7[%get3A_631, %get3A_632] {strides = array<i32>} : memref<64x768xf32, #tpu.memory_space<vmem>>, vector<1x16xf32>,
        %get3A_634 = vector.shape_cast %get3A_633 : vector<1x16xf32> to vector<1x16xf32>
        %get3A_635 = arith.index_cast %add3A_30 : i32 to index
        %get3A_636 = arith.constant 688 : index
        %get3A_637 = tpu.vector_load %arg8[%get3A_635, %get3A_636] {strides = array<i32>} : memref<64x768xf32, #tpu.memory_space<vmem>>, vector<1x16xf32>,
        %get3A_638 = vector.shape_cast %get3A_637 : vector<1x16xf32> to vector<1x16xf32>
        %add3A_639 = arith.addf %get3A_634, %get3A_638 : vector<1x16xf32>
        %swap3A_640 = arith.index_cast %add3A_30 : i32 to index
        %swap3A_641 = arith.constant 688 : index
        %swap3A_642 = tpu.vector_load %arg7[%swap3A_640, %swap3A_641] {strides = array<i32>} : memref<64x768xf32, #tpu.memory_space<vmem>>, vector<1x16xf32>,
        %swap3A_643 = vector.shape_cast %swap3A_642 : vector<1x16xf32> to vector<1x16xf32>
        %swap3A_644 = vector.shape_cast %add3A_639 : vector<1x16xf32> to vector<1x16xf32>
        tpu.vector_store %arg7[%swap3A_640, %swap3A_641], %swap3A_644 {strides = array<i32>} : memref<64x768xf32, #tpu.memory_space<vmem>>, vector<1x16xf32>,
        %get3A_645 = arith.index_cast %add3A_30 : i32 to index
        %get3A_646 = arith.constant 704 : index
        %get3A_647 = tpu.vector_load %arg7[%get3A_645, %get3A_646] {strides = array<i32>} : memref<64x768xf32, #tpu.memory_space<vmem>>, vector<1x16xf32>,
        %get3A_648 = vector.shape_cast %get3A_647 : vector<1x16xf32> to vector<1x16xf32>
        %get3A_649 = arith.index_cast %add3A_30 : i32 to index
        %get3A_650 = arith.constant 704 : index
        %get3A_651 = tpu.vector_load %arg8[%get3A_649, %get3A_650] {strides = array<i32>} : memref<64x768xf32, #tpu.memory_space<vmem>>, vector<1x16xf32>,
        %get3A_652 = vector.shape_cast %get3A_651 : vector<1x16xf32> to vector<1x16xf32>
        %add3A_653 = arith.addf %get3A_648, %get3A_652 : vector<1x16xf32>
        %swap3A_654 = arith.index_cast %add3A_30 : i32 to index
        %swap3A_655 = arith.constant 704 : index
        %swap3A_656 = tpu.vector_load %arg7[%swap3A_654, %swap3A_655] {strides = array<i32>} : memref<64x768xf32, #tpu.memory_space<vmem>>, vector<1x16xf32>,
        %swap3A_657 = vector.shape_cast %swap3A_656 : vector<1x16xf32> to vector<1x16xf32>
        %swap3A_658 = vector.shape_cast %add3A_653 : vector<1x16xf32> to vector<1x16xf32>
        tpu.vector_store %arg7[%swap3A_654, %swap3A_655], %swap3A_658 {strides = array<i32>} : memref<64x768xf32, #tpu.memory_space<vmem>>, vector<1x16xf32>,
        %get3A_659 = arith.index_cast %add3A_30 : i32 to index
        %get3A_660 = arith.constant 720 : index
        %get3A_661 = tpu.vector_load %arg7[%get3A_659, %get3A_660] {strides = array<i32>} : memref<64x768xf32, #tpu.memory_space<vmem>>, vector<1x16xf32>,
        %get3A_662 = vector.shape_cast %get3A_661 : vector<1x16xf32> to vector<1x16xf32>
        %get3A_663 = arith.index_cast %add3A_30 : i32 to index
        %get3A_664 = arith.constant 720 : index
        %get3A_665 = tpu.vector_load %arg8[%get3A_663, %get3A_664] {strides = array<i32>} : memref<64x768xf32, #tpu.memory_space<vmem>>, vector<1x16xf32>,
        %get3A_666 = vector.shape_cast %get3A_665 : vector<1x16xf32> to vector<1x16xf32>
        %add3A_667 = arith.addf %get3A_662, %get3A_666 : vector<1x16xf32>
        %swap3A_668 = arith.index_cast %add3A_30 : i32 to index
        %swap3A_669 = arith.constant 720 : index
        %swap3A_670 = tpu.vector_load %arg7[%swap3A_668, %swap3A_669] {strides = array<i32>} : memref<64x768xf32, #tpu.memory_space<vmem>>, vector<1x16xf32>,
        %swap3A_671 = vector.shape_cast %swap3A_670 : vector<1x16xf32> to vector<1x16xf32>
        %swap3A_672 = vector.shape_cast %add3A_667 : vector<1x16xf32> to vector<1x16xf32>
        tpu.vector_store %arg7[%swap3A_668, %swap3A_669], %swap3A_672 {strides = array<i32>} : memref<64x768xf32, #tpu.memory_space<vmem>>, vector<1x16xf32>,
        %get3A_673 = arith.index_cast %add3A_30 : i32 to index
        %get3A_674 = arith.constant 736 : index
        %get3A_675 = tpu.vector_load %arg7[%get3A_673, %get3A_674] {strides = array<i32>} : memref<64x768xf32, #tpu.memory_space<vmem>>, vector<1x16xf32>,
        %get3A_676 = vector.shape_cast %get3A_675 : vector<1x16xf32> to vector<1x16xf32>
        %get3A_677 = arith.index_cast %add3A_30 : i32 to index
        %get3A_678 = arith.constant 736 : index
        %get3A_679 = tpu.vector_load %arg8[%get3A_677, %get3A_678] {strides = array<i32>} : memref<64x768xf32, #tpu.memory_space<vmem>>, vector<1x16xf32>,
        %get3A_680 = vector.shape_cast %get3A_679 : vector<1x16xf32> to vector<1x16xf32>
        %add3A_681 = arith.addf %get3A_676, %get3A_680 : vector<1x16xf32>
        %swap3A_682 = arith.index_cast %add3A_30 : i32 to index
        %swap3A_683 = arith.constant 736 : index
        %swap3A_684 = tpu.vector_load %arg7[%swap3A_682, %swap3A_683] {strides = array<i32>} : memref<64x768xf32, #tpu.memory_space<vmem>>, vector<1x16xf32>,
        %swap3A_685 = vector.shape_cast %swap3A_684 : vector<1x16xf32> to vector<1x16xf32>
        %swap3A_686 = vector.shape_cast %add3A_681 : vector<1x16xf32> to vector<1x16xf32>
        tpu.vector_store %arg7[%swap3A_682, %swap3A_683], %swap3A_686 {strides = array<i32>} : memref<64x768xf32, #tpu.memory_space<vmem>>, vector<1x16xf32>,
        %get3A_687 = arith.index_cast %add3A_30 : i32 to index
        %get3A_688 = arith.constant 752 : index
        %get3A_689 = tpu.vector_load %arg7[%get3A_687, %get3A_688] {strides = array<i32>} : memref<64x768xf32, #tpu.memory_space<vmem>>, vector<1x16xf32>,
        %get3A_690 = vector.shape_cast %get3A_689 : vector<1x16xf32> to vector<1x16xf32>
        %get3A_691 = arith.index_cast %add3A_30 : i32 to index
        %get3A_692 = arith.constant 752 : index
        %get3A_693 = tpu.vector_load %arg8[%get3A_691, %get3A_692] {strides = array<i32>} : memref<64x768xf32, #tpu.memory_space<vmem>>, vector<1x16xf32>,
        %get3A_694 = vector.shape_cast %get3A_693 : vector<1x16xf32> to vector<1x16xf32>
        %add3A_695 = arith.addf %get3A_690, %get3A_694 : vector<1x16xf32>
        %swap3A_696 = arith.index_cast %add3A_30 : i32 to index
        %swap3A_697 = arith.constant 752 : index
        %swap3A_698 = tpu.vector_load %arg7[%swap3A_696, %swap3A_697] {strides = array<i32>} : memref<64x768xf32, #tpu.memory_space<vmem>>, vector<1x16xf32>,
        %swap3A_699 = vector.shape_cast %swap3A_698 : vector<1x16xf32> to vector<1x16xf32>
        %swap3A_700 = vector.shape_cast %add3A_695 : vector<1x16xf32> to vector<1x16xf32>
        tpu.vector_store %arg7[%swap3A_696, %swap3A_697], %swap3A_700 {strides = array<i32>} : memref<64x768xf32, #tpu.memory_space<vmem>>, vector<1x16xf32>,
      }
      %scan3A_25 = arith.constant 64 : i32
      "tpu.region"() ({
        %run_scoped3A = tpu.sem_alloc : memref<!tpu.dma_semaphore, #tpu.memory_space<semaphore_mem>>
        %dma_start3A_26 = arith.constant 0 : i32
        %dma_start3A_27 = tpu.memref_slice %arg5[%add3A_16, %dma_start3A_26] : memref<131072x768xf32, #tpu.memory_space<hbm>> -> memref<64x768xf32, #tpu.memory_space<hbm>>
        %dma_start3A_28 = arith.constant 0 : i32
        %dma_start3A_29 = tpu.memref_slice %arg5[%add3A_16, %dma_start3A_28] : memref<131072x768xf32, #tpu.memory_space<hbm>> -> memref<64x768xf32, #tpu.memory_space<hbm>>
        tpu.enqueue_dma source(%arg7 : memref<64x768xf32, #tpu.memory_space<vmem>>) target(%dma_start3A_29 : memref<64x768xf32, #tpu.memory_space<hbm>>) target_semaphore(%run_scoped3A : memref<!tpu.dma_semaphore, #tpu.memory_space<semaphore_mem>>)
        %dma_wait3A_30 = arith.constant 0 : i32
        %dma_wait3A_31 = tpu.memref_slice %arg5[%add3A_16, %dma_wait3A_30] : memref<131072x768xf32, #tpu.memory_space<hbm>> -> memref<64x768xf32, #tpu.memory_space<hbm>>
        %dma_wait3A_32 = arith.constant 0 : i32
        %dma_wait3A_33 = tpu.memref_slice %arg5[%add3A_16, %dma_wait3A_32] : memref<131072x768xf32, #tpu.memory_space<hbm>> -> memref<64x768xf32, #tpu.memory_space<hbm>>
        tpu.wait_dma2 semaphore(%run_scoped3A : memref<!tpu.dma_semaphore, #tpu.memory_space<semaphore_mem>>) src(%arg7 : memref<64x768xf32, #tpu.memory_space<vmem>>) dst(%dma_wait3A_33 : memref<64x768xf32, #tpu.memory_space<hbm>>)
        tpu.yield
      }) : () -> ()
    }
    %scan3A_6 = arith.constant 64 : i32
    return
  }
}

</mosaic_0001>

<sc_bundles>
// kernel: kernel.3.cloned.1.call-start
scs
__scs_entry_jumppad:
0x0: {  	(pc) =	sbr.rel $0x88, $3  }
0x1: {  	(tag) =	ssettag $0x0;
	lr =	simm.s32 $0x1  }
0x2: {  	[smem:$0x3F9F] =	sst lr;
	_ =	strace $0xD0000000  }
0x3: {  	_ = 	snop  }
0x4: {  	_ = 	snop  }
0x5: {  	_ = 	snop  }
0x6: {  	_ = 	snop  }
0x7: {  	_ = 	snop  }
__scs_overlays_trampoline_lowered:
0x8: {  	[smem:$0x3FAE] =	sst s0  }
0x9: {  	[smem:$0x3FAF] =	sst s1  }
0xa: {  	[smem:$0x3FB0] =	sst s2  }
0xb: {  	[smem:$0x3FB1] =	sst s3  }
0xc: {  	[smem:$0x3FB2] =	sst s4  }
0xd: {  	[smem:$0x3FB3] =	sst s5  }
0xe: {  	[smem:$0x3FB4] =	sst s6  }
0xf: {  	[smem:$0x3FB5] =	sst s7  }
0x10: {  	[smem:$0x3FB6] =	sst s8  }
0x11: {  	[smem:$0x3FB7] =	sst s9;
	s0 =	simm.s32 @!p0 $0x0  }
0x12: {  	s1 =	sld [smem:$0x3F9D];
	s0 =	simm.s32 @p0 $0x1  }
0x13: {  	[smem:$0x3FB8] =	sst s0;
	s0 =	simm.s32 @!p1 $0x0  }
0x14: {  	s2 =	sld [smem:$0x3F9C];
	s0 =	simm.s32 @p1 $0x1  }
0x15: {  	[smem:$0x3FB9] =	sst s0;
	s0 =	simm.s32 @!p2 $0x0  }
0x16: {  	s3 =	sld [smem:$0x3FDB];
	s0 =	simm.s32 @p2 $0x1  }
0x17: {  	s4 =	simm.s32 $0x1BF5;
	[smem:$0x3FBB] =	sst s0  }
0x18: {  	s0 =	sld [smem:$0x3F9E];
	_ =	swait.ge [sflag:s4], $0x0  }
0x19: {  	s7 =	sld [smem:$0x3F9F]  }
0x1a: {  	s8 =	sadd.s32 $0xFFFFE003, lr  }
0x1b: {  	s9 =	sadd.s32 $0xFFFFFEF7, lr;
	s5 =	simm.s32 $0xFFFFFFFF;
	p2 =	slt.u32 s8, $0xFFFFF086  }
0x1c: {  	p1 =	slt.u32 s9, $0xF7A;
	s5 =	simm.s32 @!p2 $0x0  }
0x1d: {  	s5 =	simm.s32 @p1 $0x1;
	p0 =	seq.s32 s7, s2  }
0x1e: {  	s7 =	smul.u32 @!p0 $0xF7A, s2;
	p2 =	seq.s32 @!p0 s5, $0x0  }
0x1f: {  	s9 =	smul.u32 $0xF7A, s1;
	s8 =	simm.s32 @!p0 $0x1BF5;
	p2 =	por !p2, p0  }
0x20: {  	[sflag:s8] =	ssyncset.s32 @!p0 $0xFFFFF086;
	s6 =	sadd.s32 @!p0 s3, s7;
	s7 =	simm.s32 @!p0 $0x108  }
0x21: {  	s3 =	sadd.s32 s3, s9;
	s6 =	sadd.s32 @!p0 $0x88, s6;
	s7 =	simm.s32 @p2 $0x1082  }
0x22: {  	[simem:s7], [sflag:s8] =	dma.local @!p0 [hbm:s6], $0xF7A  }
0x23: {  	s9 =	sor.u32 $0xD0000000, s2;
	s6 =	simm.s32 $0x108;
	_ =	swait.ge @!p0 [sflag:s8], $0x0  }
0x24: {  	s3 =	sadd.s32 $0x88, s3;
	s6 =	simm.s32 @!p1 $0x1082;
	[sflag:s4] =	ssyncset.s32 $0xFFFFF086  }
0x25: {  	[simem:s6], [sflag:s4] =	dma.local [hbm:s3], $0xF7A  }
0x26: {  	[smem:$0x3F9F] =	sst s1;
	(tag) =	ssettag s2;
	_ =	strace s9  }
0x27: {  	s1 =	sld [smem:$0x3FAF]  }
0x28: {  	s2 =	sld [smem:$0x3FB0]  }
0x29: {  	s4 =	sld [smem:$0x3FB2]  }
0x2a: {  	p0 =	seq.s32 s5, $0x0;
	s5 =	sld [smem:$0x3FB3]  }
0x2b: {  	s6 =	sld [smem:$0x3FB4]  }
0x2c: {  	s7 =	sld [smem:$0x3FB5]  }
0x2d: {  	s3 =	simm.s32 $0x108;
	s8 =	sld [smem:$0x3FB6]  }
0x2e: {  	s3 =	simm.s32 @!p0 $0x1082;
	s9 =	sld [smem:$0x3FB7]  }
0x2f: {  	lr =	sadd.s32 s0, s3;
	s0 =	sld [smem:$0x3FAE]  }
0x30: {  	s3 =	sld [smem:$0x3FB1]  }
0x31: {  	[smem:$0x3FBA] =	sst s10  }
0x32: {  	s10 =	sld [smem:$0x3FB8];
	_ =	sdelay $0x3  }
0x33: {  	p0 =	seq.s32 s10, $0x1;
	s10 =	sld [smem:$0x3FBA];
	_ =	sdelay $0x3  }
0x34: {  	[smem:$0x3FBA] =	sst s10  }
0x35: {  	s10 =	sld [smem:$0x3FB9];
	_ =	sdelay $0x3  }
0x36: {  	p1 =	seq.s32 s10, $0x1;
	s10 =	sld [smem:$0x3FBA];
	_ =	sdelay $0x3  }
0x37: {  	[smem:$0x3FBA] =	sst s10  }
0x38: {  	s10 =	sld [smem:$0x3FBB]  }
0x39: {  	_ = 	snop;
	(pc) =	sbr.ind lr, $3  }
0x3a: {  	_ = 	snop  }
0x3b: {  	_ = 	snop  }
0x3c: {  	p2 =	seq.s32 s10, $0x1;
	s10 =	sld [smem:$0x3FBA]  }
0x3d: {  	_ =	shalt  }
0x3e: {  	_ =	shalt  }
0x3f: {  	_ =	shalt  }
0x40: {  	_ =	shalt  }
0x41: {  	_ =	shalt  }
0x42: {  	_ =	shalt  }
0x43: {  	_ =	shalt  }
0x44: {  	_ =	shalt  }
0x45: {  	_ =	shalt  }
0x46: {  	_ =	shalt  }
0x47: {  	_ =	shalt  }
0x48: {  	_ =	shalt  }
0x49: {  	_ =	shalt  }
0x4a: {  	_ =	shalt  }
0x4b: {  	_ =	shalt  }
0x4c: {  	_ =	shalt  }
0x4d: {  	_ =	shalt  }
0x4e: {  	_ =	shalt  }
0x4f: {  	_ =	shalt  }
0x50: {  	_ =	shalt  }
0x51: {  	_ =	shalt  }
0x52: {  	_ =	shalt  }
0x53: {  	_ =	shalt  }
0x54: {  	_ =	shalt  }
0x55: {  	_ =	shalt  }
0x56: {  	_ =	shalt  }
0x57: {  	_ =	shalt  }
0x58: {  	_ =	shalt  }
0x59: {  	_ =	shalt  }
0x5a: {  	_ =	shalt  }
0x5b: {  	_ =	shalt  }
0x5c: {  	_ =	shalt  }
0x5d: {  	_ =	shalt  }
0x5e: {  	_ =	shalt  }
0x5f: {  	_ =	shalt  }
0x60: {  	_ =	shalt  }
0x61: {  	_ =	shalt  }
0x62: {  	_ =	shalt  }
0x63: {  	_ =	shalt  }
0x64: {  	_ =	shalt  }
0x65: {  	_ =	shalt  }
0x66: {  	_ =	shalt  }
0x67: {  	_ =	shalt  }
0x68: {  	_ =	shalt  }
0x69: {  	_ =	shalt  }
0x6a: {  	_ =	shalt  }
0x6b: {  	_ =	shalt  }
0x6c: {  	_ =	shalt  }
0x6d: {  	_ =	shalt  }
0x6e: {  	_ =	shalt  }
0x6f: {  	_ =	shalt  }
0x70: {  	_ =	shalt  }
0x71: {  	_ =	shalt  }
0x72: {  	_ =	shalt  }
0x73: {  	_ =	shalt  }
0x74: {  	_ =	shalt  }
0x75: {  	_ =	shalt  }
0x76: {  	_ =	shalt  }
0x77: {  	_ =	shalt  }
0x78: {  	_ =	shalt  }
0x79: {  	_ =	shalt  }
0x7a: {  	_ =	shalt  }
0x7b: {  	_ =	shalt  }
0x7c: {  	_ =	shalt  }
0x7d: {  	_ =	shalt  }
0x7e: {  	_ =	shalt  }
0x7f: {  	_ =	shalt  }
0x80: {  	_ =	shalt  }
0x81: {  	_ =	shalt  }
0x82: {  	_ =	shalt  }
0x83: {  	_ =	shalt  }
0x84: {  	_ =	shalt  }
0x85: {  	_ =	shalt  }
0x86: {  	_ =	shalt  }
0x87: {  	_ =	shalt  }
.Lfunc_end0:
.L_simem_size_0:
called_computation_lowered:
.L_overlay_start_0:
0x88: {  	s2 =	sld [smem:$0x3FD9]  }
0x89: {  	s3 =	sld [smem:$0x3FFE];
	_ =	sdelay $0x1  }
0x8a: {  	s1 =	srdreg.scid  }
0x8b: {  	s0 =	sand.u32 $0x1, s1  }
0x8c: {  	s17 =	sshll.u32 s0, $0xA;
	s2 =	sadd.s32 s3, s2  }
0x8d: {  	s2 =	sadd.s32 s2, s17  }
0x8e: {  	[smem:$0x3FC6] =	sst s2  }
0x8f: {  	_ = 	snop  }
0x90: {  	s2 =	sld [smem:$0x3FC8]  }
0x91: {  	s18 =	sld [smem:$0x3FD0];
	(tm) =	ssettm $0x1  }
0x92: {  	s4 =	sld [smem:$0x3FFB];
	_ =	sdelay $0x3  }
0x93: {  	_ =	strace s4  }
0x94: {  	s4 =	sld [smem:$0x3FFC];
	_ =	sdelay $0x3  }
0x95: {  	_ =	strace s4  }
0x96: {  	s4 =	sld [smem:$0x3FFD];
	_ =	sdelay $0x3  }
0x97: {  	_ =	strace s4  }
0x98: {  	_ =	strace $0x8FFFFFFF  }
0x99: {  	s19 =	sld [smem:$0x3FDB];
	_ =	sdelay $0x1  }
0x9a: {  	s5 =	simm.s32 $_scs_section_size  }
0x9b: {  	s6 =	simm.s32 $_size__tile_overlayer_lowered;
	s7 =	simm.s32 $_tile_overlayer_lowered  }
0x9c: {  	s22 =	simm.s32 $0x1BFF;
	s21 =	sshll.u32 s7, $0x1;
	s4 =	sadd.s32 s5, s19  }
0x9d: {  	s8 =	simm.s32 $0x0;
	s20 =	sshll.u32 s6, $0x1;
	s6 =	sadd.s32 s21, s4  }
0x9e: {  	[timem:s8], [sflag:s22] =	dma.local [hbm:s6], s20  }
0x9f: {  	_ =	swait.ge [sflag:s22], s20  }
0xa0: {  	s5 =	ssub.s32 $0x0, s20;
	[sflag:s22] =	ssyncset.done $0x0  }
0xa1: {  	[sflag:s22] =	ssyncadd.s32 s5;
	_ =	sdelay $0x1  }
0xa2: {  	s23 =	simm.s32 $0x1B8B  }
0xa3: {  	_ =	swait.ge [sflag:s23], $0x1  }
0xa4: {  	[sflag:s23] =	ssyncset.done $0x0  }
0xa5: {  	s25 =	simm.s32 $0x1B8E;
	s24 =	sld [smem:$0x3FFE];
	[sflag:s23] =	ssyncadd.s32 $0xFFFFFFFF  }
0xa6: {  	s26 =	simm.s32 $execute0_lowered;
	[smem:$0x3FD2] =	sst s25  }
0xa7: {  	s6 =	sshll.u32 s26, $0x1;
	_ =	strace $0x80000046;
	[dreg:$0x1] =	wrdreg $0xFFFFFFFF  }
0xa8: {  	s28 =	simm.s32 $_size_execute0_lowered;
	s4 =	sadd.s32 s4, s6;
	[dreg:$0x0] =	wrdreg $0x0  }
0xa9: {  	s6 =	sshll.u32 s28, $0x1;
	[dreg:$0x2] =	wrdreg s4  }
0xaa: {  	[dreg:$0x3] =	wrdreg s6  }
0xab: {  	[dreg:$0x4] =	wrdreg $0xC0  }
0xac: {  	_ =	task [dreg:s8], $0x5FFFF  }
0xad: {  	[dreg:$0x1] =	wrdreg $0xFFFFFFFF  }
0xae: {  	[dreg:$0x0] =	wrdreg $0x60  }
0xaf: {  	[dreg:$0x2] =	wrdreg s2  }
0xb0: {  	[dreg:$0x3] =	wrdreg s24  }
0xb1: {  	[dreg:$0x4] =	wrdreg s18  }
0xb2: {  	[dreg:$0x5] =	wrdreg $0x9  }
0xb3: {  	_ =	task.clear_ibuf [dreg:s8], $0x6FFFF;
	_ =	strace $0x90000046  }
0xb4: {  	s29 =	simm.s32 $0x9;
	_ =	strace $0x80000048  }
0xb5: {  	_ =	swait.ge [sflag:s29], $0x1  }
0xb6: {  	[sflag:s29] =	ssyncadd.s32 $0xFFFFFFFF  }
0xb7: {  	_ =	strace $0x90000048  }
0xb8: {  	_ =	sfence  }
0xb9: {  	s30 =	sld [smem:$0x0];
	_ =	sdelay $0x2  }
0xba: {  	s31 =	sshll.u32 s1, $0xD;
	s1 =	sshrl.u32 s1, $0x2  }
0xbb: {  	s3 =	sand.u32 $0x4000, s31;
	s1 =	sadd.s32 s1, s30  }
0xbc: {  	s0 =	sor.u32 s3, s0;
	s1 =	sshll.u32 s1, $0x11  }
0xbd: {  	s0 =	sor.u32 s1, s0  }
0xbe: {  	s0 =	sadd.s32 $0x8F2B, s0  }
0xbf: {  	[sflag:s0] =	ssyncadd.remote.s32 $0x1  }
0xc0: {  	_ =	sfence.sel $0xFFFF  }
0xc1: {  	[dreg:$0x0] =	wrdreg $0xFFFFFFFF;
	(pc) =	sbr.abs _section_cstart, $3  }
0xc2: {  	[dreg:$0x1] =	wrdreg $0xFFFFFFFF  }
0xc3: {  	_ =	task.clear_ibuf [dreg:s8], $0x2FFFF;
	_ =	strace $0x9FFFFFFF  }
0xc4: {  	(tm) =	ssettm $0x7FFFFFFF  }
0xc5: {  	_ =	shalt  }
tec
execute0_lowered:
.L_overlay_start_1:
0x0: {  	(tag) =	ssettag $0x1  }
0x1: {  	s0 =	srdreg.scid;
	s1 =	rddreg [dreg:$0x0]  }
0x2: {  	s2 =	stileid.u32;
	s5 =	rddreg [dreg:$0x1];
	s25 =	simm.s32 $0x0  }
0x3: {  	s20 =	simm.s32 $0x0;
	s12 =	simm.s32 $0x2;
	s13 =	simm.s32 $0x80  }
0x4: {  	s21 =	simm.s32 $0x4080;
	s22 =	simm.s32 $0x4880;
	s23 =	simm.s32 $0x5080  }
0x5: {  	s24 =	simm.s32 $0x5880;
	s28 =	simm.s32 $0x7080;
	s29 =	simm.s32 $0x7880  }
0x6: {  	s30 =	simm.s32 $0x8080;
	s31 =	simm.s32 $0x8880;
	s11 =	simm.s32 $0xA080  }
0x7: {  	s7 =	simm.s32 $0xA880;
	s10 =	simm.s32 $0xB080;
	s0 =	sand.u32 $0x1, s0  }
0x8: {  	s14 =	simm.s32 $0x0;
	s2 =	sshll.u32 s2, $0x7;
	s3 =	sshll.u32 s0, $0x6  }
0x9: {  	[smem:$0x7FF] =	sst s25;
	s8 =	sadd.s32 $0x100, s1;
	s4 =	sor.u32 s3, s2  }
0xa: {  	s9 =	sadd.s32 $0x200, s1;
	s0 =	ssub.s32 $0x2, s0;
	s2 =	sshrl.u32 s4, $0x3  }
0xb: {  	s25 =	simm.s32 $0x6080;
	s26 =	sshrl.u32 s0, $0x1;
	s2 =	smul.u32 $0x300, s2  }
0xc: {  	_ =	strace $0x80000047;
	s3 =	simm.s32 $0xB880;
	s0 =	ssub.s32 s0, s26  }
0xd: {  	v2 =	vlaneseq.u32;
	s26 =	simm.s32 $0x6880;
	s0 =	smax.u32 s0, $0x1;
	s2 =	sadd.s32 s2, s5  }
0xe: {  	vm0 =	vmmov $0xffff;
	v1 =	vshrl.u32 v2, $0x3;
	[dreg:$0x5] =	wrdreg s0;
	s0 =	simm.s32 $0x9880;
	s2 =	sadd.s32 $0x4000, s2  }
0xf: {  	v0 =	vand.u32 $0x7, v2;
	v2 =	vor.u32 $0x8, v2;
	v1 =	vmul.u32 $0x8, v1;
	s5 =	simm.s32 $0x1;
	[dreg:$0x4] =	wrdreg s2;
	s2 =	simm.s32 $0x9080  }
.LBB2_1:
0x10: {  	[dreg:$0x6] =	wrdreg s14  }
0x11: {  	s6 =	rddreg [dreg:$0x4];
	s19 =	simm.s32 $0xC080  }
0x12: {  	[tilespmem:s19], [sflag:$0x2] =	stream.linear.gather [hbm4b:s6+s20], $0xC000, $0x38;
	[tilespmem:$0x18080] =	vst v63  }
0x13: {  	_ =	swait.ge [sflag:s12], $0xC000  }
0x14: {  	[sflag:s12] =	ssyncset.done $0x0  }
0x15: {  	s14 =	simm.s32 $0x0;
	[sflag:s12] =	ssyncadd.s32 $0xFFFF4000  }
.LBB2_2:
0x16: {  	s15 =	sshll.u32 s14, $0xB  }
0x17: {  	s15 =	sor.u32 s4, s15  }
0x18: {  	s6 =	rddreg [dreg:$0x1];
	s15 =	sshrl.u32 s15, $0x3  }
0x19: {  	s16 =	simm.s32 $0x0;
	s17 =	sadd.s32 s6, s15  }
0x1a: {  	[tilespmem:s16], [sflag:$0x2] =	stream.linear.gather [hbm4b:s17+s16], $0x40, $0x38;
	[tilespmem:$0x18080] =	vst v63  }
0x1b: {  	_ =	swait.ge [sflag:s12], $0x40  }
0x1c: {  	[sflag:s12] =	ssyncset.done $0x0  }
0x1d: {  	[sflag:s12] =	ssyncadd.s32 $0xFFFFFFC0  }
0x1e: {  	v3 =	vld [tilespmem:$0x0];
	_ =	sdelay $0x4  }
0x1f: {  	v4 =	vshrl.u32 v3, $0x3  }
0x20: {  	v4 =	vmul.u32 $0x30, v4  }
0x21: {  	v3 =	vand.u32 $0x7, v3  }
0x22: {  	v3 =	vor.u32 v3, v4  }
0x23: {  	v4 =	vperm.xlane v3, v0;
	_ =	sdelay $0x1  }
0x24: {  	v4 =	vadd.s32 v1, v4;
	_ =	sdelay $0x3  }
0x25: {  	v3 =	vperm.xlane v3, v2  }
0x26: {  	[tilespmem:s13], [sflag:$0x1] =	stream.indirect_vreg.gather [hbm4b:s1+s16], $0x80, v4, vm0, $0xb8;
	[tilespmem:$0x18080] =	vst v63  }
0x27: {  	s18 =	simm.s32 $0x880;
	v3 =	vadd.s32 v1, v3  }
0x28: {  	[tilespmem:s18], [sflag:$0x1] =	stream.indirect_vreg.gather [hbm4b:s8+s16], $0x80, v4, vm0, $0xb8;
	[tilespmem:$0x18080] =	vst v63  }
0x29: {  	s19 =	simm.s32 $0x1080  }
0x2a: {  	[tilespmem:s19], [sflag:$0x1] =	stream.indirect_vreg.gather [hbm4b:s9+s16], $0x80, v4, vm0, $0xb8;
	[tilespmem:$0x18080] =	vst v63  }
0x2b: {  	s17 =	simm.s32 $0x1880  }
0x2c: {  	[tilespmem:s17], [sflag:$0x1] =	stream.indirect_vreg.gather [hbm4b:s1+s16], $0x80, v3, vm0, $0xb8;
	[tilespmem:$0x18080] =	vst v63  }
0x2d: {  	s18 =	simm.s32 $0x2080  }
0x2e: {  	[tilespmem:s18], [sflag:$0x1] =	stream.indirect_vreg.gather [hbm4b:s8+s16], $0x80, v3, vm0, $0xb8;
	[tilespmem:$0x18080] =	vst v63  }
0x2f: {  	s19 =	simm.s32 $0x2880  }
0x30: {  	[tilespmem:s19], [sflag:$0x1] =	stream.indirect_vreg.gather [hbm4b:s9+s16], $0x80, v3, vm0, $0xb8;
	[tilespmem:$0x18080] =	vst v63  }
0x31: {  	v3 =	vld [tilespmem:$0x10];
	_ =	sdelay $0x4  }
0x32: {  	v4 =	vshrl.u32 v3, $0x3  }
0x33: {  	v4 =	vmul.u32 $0x30, v4  }
0x34: {  	v3 =	vand.u32 $0x7, v3  }
0x35: {  	v3 =	vor.u32 v3, v4  }
0x36: {  	v4 =	vperm.xlane v3, v0;
	_ =	sdelay $0x1  }
0x37: {  	v4 =	vadd.s32 v1, v4;
	_ =	sdelay $0x3  }
0x38: {  	s17 =	simm.s32 $0x3080;
	v3 =	vperm.xlane v3, v2  }
0x39: {  	[tilespmem:s17], [sflag:$0x1] =	stream.indirect_vreg.gather [hbm4b:s1+s16], $0x80, v4, vm0, $0xb8;
	[tilespmem:$0x18080] =	vst v63  }
0x3a: {  	s18 =	simm.s32 $0x3880;
	v3 =	vadd.s32 v1, v3  }
0x3b: {  	[tilespmem:s18], [sflag:$0x1] =	stream.indirect_vreg.gather [hbm4b:s8+s16], $0x80, v4, vm0, $0xb8;
	[tilespmem:$0x18080] =	vst v63  }
0x3c: {  	_ = 	snop  }
0x3d: {  	[tilespmem:s21], [sflag:$0x1] =	stream.indirect_vreg.gather [hbm4b:s9+s16], $0x80, v4, vm0, $0xb8;
	[tilespmem:$0x18080] =	vst v63  }
0x3e: {  	_ = 	snop  }
0x3f: {  	[tilespmem:s22], [sflag:$0x1] =	stream.indirect_vreg.gather [hbm4b:s1+s16], $0x80, v3, vm0, $0xb8;
	[tilespmem:$0x18080] =	vst v63  }
0x40: {  	_ = 	snop  }
0x41: {  	[tilespmem:s23], [sflag:$0x1] =	stream.indirect_vreg.gather [hbm4b:s8+s16], $0x80, v3, vm0, $0xb8;
	[tilespmem:$0x18080] =	vst v63  }
0x42: {  	_ = 	snop  }
0x43: {  	[tilespmem:s24], [sflag:$0x1] =	stream.indirect_vreg.gather [hbm4b:s9+s16], $0x80, v3, vm0, $0xb8;
	[tilespmem:$0x18080] =	vst v63  }
0x44: {  	v3 =	vld [tilespmem:$0x20];
	_ =	sdelay $0x4  }
0x45: {  	v4 =	vshrl.u32 v3, $0x3  }
0x46: {  	v4 =	vmul.u32 $0x30, v4  }
0x47: {  	v3 =	vand.u32 $0x7, v3  }
0x48: {  	v3 =	vor.u32 v3, v4  }
0x49: {  	v4 =	vperm.xlane v3, v0;
	_ =	sdelay $0x1  }
0x4a: {  	v4 =	vadd.s32 v1, v4;
	_ =	sdelay $0x3  }
0x4b: {  	v3 =	vperm.xlane v3, v2  }
0x4c: {  	[tilespmem:s25], [sflag:$0x1] =	stream.indirect_vreg.gather [hbm4b:s1+s16], $0x80, v4, vm0, $0xb8;
	[tilespmem:$0x18080] =	vst v63  }
0x4d: {  	v3 =	vadd.s32 v1, v3  }
0x4e: {  	[tilespmem:s26], [sflag:$0x1] =	stream.indirect_vreg.gather [hbm4b:s8+s16], $0x80, v4, vm0, $0xb8;
	[tilespmem:$0x18080] =	vst v63  }
0x4f: {  	_ = 	snop  }
0x50: {  	[tilespmem:s28], [sflag:$0x1] =	stream.indirect_vreg.gather [hbm4b:s9+s16], $0x80, v4, vm0, $0xb8;
	[tilespmem:$0x18080] =	vst v63  }
0x51: {  	_ = 	snop  }
0x52: {  	[tilespmem:s29], [sflag:$0x1] =	stream.indirect_vreg.gather [hbm4b:s1+s16], $0x80, v3, vm0, $0xb8;
	[tilespmem:$0x18080] =	vst v63  }
0x53: {  	_ = 	snop  }
0x54: {  	[tilespmem:s30], [sflag:$0x1] =	stream.indirect_vreg.gather [hbm4b:s8+s16], $0x80, v3, vm0, $0xb8;
	[tilespmem:$0x18080] =	vst v63  }
0x55: {  	_ = 	snop  }
0x56: {  	[tilespmem:s31], [sflag:$0x1] =	stream.indirect_vreg.gather [hbm4b:s9+s16], $0x80, v3, vm0, $0xb8;
	[tilespmem:$0x18080] =	vst v63  }
0x57: {  	v3 =	vld [tilespmem:$0x30];
	_ =	sdelay $0x4  }
0x58: {  	v4 =	vshrl.u32 v3, $0x3  }
0x59: {  	v4 =	vmul.u32 $0x30, v4  }
0x5a: {  	v3 =	vand.u32 $0x7, v3  }
0x5b: {  	v3 =	vor.u32 v3, v4  }
0x5c: {  	v4 =	vperm.xlane v3, v0;
	_ =	sdelay $0x1  }
0x5d: {  	v4 =	vadd.s32 v1, v4;
	_ =	sdelay $0x3  }
0x5e: {  	v3 =	vperm.xlane v3, v2  }
0x5f: {  	[tilespmem:s2], [sflag:$0x1] =	stream.indirect_vreg.gather [hbm4b:s1+s16], $0x80, v4, vm0, $0xb8;
	[tilespmem:$0x18080] =	vst v63  }
0x60: {  	v3 =	vadd.s32 v1, v3  }
0x61: {  	[tilespmem:s0], [sflag:$0x1] =	stream.indirect_vreg.gather [hbm4b:s8+s16], $0x80, v4, vm0, $0xb8;
	[tilespmem:$0x18080] =	vst v63  }
0x62: {  	_ = 	snop  }
0x63: {  	[tilespmem:s11], [sflag:$0x1] =	stream.indirect_vreg.gather [hbm4b:s9+s16], $0x80, v4, vm0, $0xb8;
	[tilespmem:$0x18080] =	vst v63  }
0x64: {  	_ = 	snop  }
0x65: {  	[tilespmem:s7], [sflag:$0x1] =	stream.indirect_vreg.gather [hbm4b:s1+s16], $0x80, v3, vm0, $0xb8;
	[tilespmem:$0x18080] =	vst v63  }
0x66: {  	_ = 	snop  }
0x67: {  	[tilespmem:s10], [sflag:$0x1] =	stream.indirect_vreg.gather [hbm4b:s8+s16], $0x80, v3, vm0, $0xb8;
	[tilespmem:$0x18080] =	vst v63  }
0x68: {  	s19 =	simm.s32 $0x0  }
0x69: {  	[tilespmem:s3], [sflag:$0x1] =	stream.indirect_vreg.gather [hbm4b:s9+s16], $0x80, v3, vm0, $0xb8;
	[tilespmem:$0x18080] =	vst v63  }
0x6a: {  	s17 =	smul.u32 $0x1800, s19;
	_ =	swait.ge [sflag:s5], $0xC000  }
0x6b: {  	s18 =	sand.u32 $0x380, s16;
	[sflag:s5] =	ssyncset.done $0x0  }
0x6c: {  	s17 =	sor.u32 s18, s17;
	[sflag:s5] =	ssyncadd.s32 $0xFFFF4000  }
0x6d: {  	v12 =	vld [tilespmem:s17+$0xC080]  }
0x6e: {  	v13 =	vld [tilespmem:s17+$0xC090]  }
0x6f: {  	v14 =	vld [tilespmem:s17+$0xC0A0]  }
0x70: {  	v15 =	vld [tilespmem:s17+$0xC0B0]  }
0x71: {  	v16 =	vld [tilespmem:s17+$0xC0C0]  }
0x72: {  	v17 =	vld [tilespmem:s17+$0xC0D0]  }
0x73: {  	v18 =	vld [tilespmem:s17+$0xC0E0]  }
0x74: {  	v19 =	vld [tilespmem:s17+$0xC0F0]  }
0x75: {  	v20 =	vld [tilespmem:s17+$0xC480]  }
0x76: {  	v21 =	vld [tilespmem:s17+$0xC490]  }
0x77: {  	v22 =	vld [tilespmem:s17+$0xC4A0]  }
0x78: {  	v23 =	vld [tilespmem:s17+$0xC4B0]  }
0x79: {  	v24 =	vld [tilespmem:s17+$0xC4C0]  }
0x7a: {  	v25 =	vld [tilespmem:s17+$0xC4D0]  }
0x7b: {  	v26 =	vld [tilespmem:s17+$0xC4E0]  }
0x7c: {  	v27 =	vld [tilespmem:s17+$0xC4F0]  }
0x7d: {  	v28 =	vld [tilespmem:s17+$0xC880]  }
0x7e: {  	v29 =	vld [tilespmem:s17+$0xC890]  }
0x7f: {  	v30 =	vld [tilespmem:s17+$0xC8A0]  }
0x80: {  	v31 =	vld [tilespmem:s17+$0xC8B0]  }
0x81: {  	v32 =	vld [tilespmem:s17+$0xC8C0]  }
0x82: {  	v33 =	vld [tilespmem:s17+$0xC8D0]  }
0x83: {  	v34 =	vld [tilespmem:s17+$0xC8E0]  }
0x84: {  	v35 =	vld [tilespmem:s17+$0xC8F0]  }
0x85: {  	v36 =	vld [tilespmem:s17+$0xCC80]  }
0x86: {  	v37 =	vld [tilespmem:s17+$0xCC90]  }
0x87: {  	v38 =	vld [tilespmem:s17+$0xCCA0]  }
0x88: {  	v39 =	vld [tilespmem:s17+$0xCCB0]  }
0x89: {  	v40 =	vld [tilespmem:s17+$0xCCC0]  }
0x8a: {  	v41 =	vld [tilespmem:s17+$0xCCD0]  }
0x8b: {  	v42 =	vld [tilespmem:s17+$0xCCE0]  }
0x8c: {  	v43 =	vld [tilespmem:s17+$0xCCF0]  }
0x8d: {  	v44 =	vld [tilespmem:s17+$0xD080]  }
0x8e: {  	v45 =	vld [tilespmem:s17+$0xD090]  }
0x8f: {  	v46 =	vld [tilespmem:s17+$0xD0A0]  }
0x90: {  	v47 =	vld [tilespmem:s17+$0xD0B0]  }
0x91: {  	v48 =	vld [tilespmem:s17+$0xD0C0]  }
0x92: {  	v49 =	vld [tilespmem:s17+$0xD0D0]  }
0x93: {  	v50 =	vld [tilespmem:s17+$0xD0E0]  }
0x94: {  	v11 =	vld [tilespmem:s17+$0xD0F0]  }
0x95: {  	v10 =	vld [tilespmem:s17+$0xD480]  }
0x96: {  	v9 =	vld [tilespmem:s17+$0xD490]  }
0x97: {  	v8 =	vld [tilespmem:s17+$0xD4A0]  }
0x98: {  	v7 =	vld [tilespmem:s17+$0xD4B0]  }
0x99: {  	v6 =	vld [tilespmem:s17+$0xD4C0]  }
0x9a: {  	v51 =	vld [tilespmem:s17+$0x80]  }
0x9b: {  	v52 =	vld [tilespmem:s17+$0x90]  }
0x9c: {  	v53 =	vld [tilespmem:s17+$0xA0]  }
0x9d: {  	v54 =	vld [tilespmem:s17+$0xB0]  }
0x9e: {  	v55 =	vld [tilespmem:s17+$0xC0]  }
0x9f: {  	v62 =	vld [tilespmem:s17+$0xD0];
	v12 =	vadd.f32 v12, v51  }
0xa0: {  	v63 =	vld [tilespmem:s17+$0xE0];
	v13 =	vadd.f32 v13, v52  }
0xa1: {  	[tilespmem:s17+$0x80] =	vst v12;
	v12 =	vadd.f32 v14, v53;
	v14 =	vld [tilespmem:s17+$0xF0]  }
0xa2: {  	[tilespmem:s17+$0x90] =	vst v13;
	v13 =	vadd.f32 v15, v54;
	v15 =	vld [tilespmem:s17+$0x480]  }
0xa3: {  	[tilespmem:s17+$0xA0] =	vst v12;
	v12 =	vadd.f32 v16, v55;
	v16 =	vld [tilespmem:s17+$0x490]  }
0xa4: {  	[tilespmem:s17+$0xB0] =	vst v13;
	v13 =	vadd.f32 v17, v62;
	v17 =	vld [tilespmem:s17+$0x4A0]  }
0xa5: {  	v5 =	vld [tilespmem:s17+$0xD4D0]  }
0xa6: {  	[tilespmem:s17+$0xC0] =	vst v12;
	v12 =	vadd.f32 v18, v63;
	v18 =	vld [tilespmem:s17+$0x4F0]  }
0xa7: {  	[tilespmem:s17+$0xD0] =	vst v13;
	v13 =	vadd.f32 v19, v14;
	v14 =	vld [tilespmem:s17+$0x4B0]  }
0xa8: {  	[tilespmem:s17+$0xE0] =	vst v12;
	v12 =	vadd.f32 v20, v15;
	v15 =	vld [tilespmem:s17+$0x4C0]  }
0xa9: {  	[tilespmem:s17+$0xF0] =	vst v13;
	v13 =	vadd.f32 v21, v16;
	v16 =	vadd.f32 v22, v17;
	v17 =	vld [tilespmem:s17+$0x4E0]  }
0xaa: {  	[tilespmem:s17+$0x480] =	vst v12;
	v12 =	vld [tilespmem:s17+$0x4D0]  }
0xab: {  	[tilespmem:s17+$0x490] =	vst v13;
	v13 =	vld [tilespmem:s17+$0x880];
	v18 =	vadd.f32 v27, v18  }
0xac: {  	[tilespmem:s17+$0x4A0] =	vst v16;
	v16 =	vld [tilespmem:s17+$0x890];
	v14 =	vadd.f32 v23, v14  }
0xad: {  	v4 =	vld [tilespmem:s17+$0xD4E0];
	v15 =	vadd.f32 v24, v15;
	[tilespmem:s17+$0x4F0] =	vst v18  }
0xae: {  	[tilespmem:s17+$0x4B0] =	vst v14;
	v14 =	vld [tilespmem:s17+$0x8A0];
	v17 =	vadd.f32 v26, v17  }
0xaf: {  	v12 =	vadd.f32 v25, v12;
	[tilespmem:s17+$0x4C0] =	vst v15;
	v15 =	vld [tilespmem:s17+$0x8B0]  }
0xb0: {  	v18 =	vld [tilespmem:s17+$0x8F0];
	[tilespmem:s17+$0x4E0] =	vst v17;
	v13 =	vadd.f32 v28, v13  }
0xb1: {  	v16 =	vadd.f32 v29, v16;
	[tilespmem:s17+$0x4D0] =	vst v12;
	v12 =	vld [tilespmem:s17+$0x8C0]  }
0xb2: {  	v17 =	vld [tilespmem:s17+$0x8D0];
	[tilespmem:s17+$0x880] =	vst v13  }
0xb3: {  	[tilespmem:s17+$0x890] =	vst v16;
	v16 =	vld [tilespmem:s17+$0x8E0];
	v13 =	vadd.f32 v30, v14  }
0xb4: {  	v14 =	vld [tilespmem:s17+$0xC80];
	v15 =	vadd.f32 v31, v15  }
0xb5: {  	[tilespmem:s17+$0x8A0] =	vst v13;
	v13 =	vld [tilespmem:s17+$0xC90]  }
0xb6: {  	v12 =	vadd.f32 v32, v12;
	[tilespmem:s17+$0x8B0] =	vst v15;
	v15 =	vld [tilespmem:s17+$0xCA0]  }
0xb7: {  	v3 =	vld [tilespmem:s17+$0xD4F0];
	v17 =	vadd.f32 v33, v17  }
0xb8: {  	v16 =	vadd.f32 v34, v16;
	[tilespmem:s17+$0x8C0] =	vst v12;
	v12 =	vld [tilespmem:s17+$0xCB0]  }
0xb9: {  	[tilespmem:s17+$0x8D0] =	vst v17;
	v17 =	vld [tilespmem:s17+$0xCC0];
	v14 =	vadd.f32 v36, v14  }
0xba: {  	v18 =	vadd.f32 v35, v18;
	[tilespmem:s17+$0x8E0] =	vst v16;
	v16 =	vld [tilespmem:s17+$0xCD0]  }
0xbb: {  	v13 =	vadd.f32 v37, v13;
	[tilespmem:s17+$0xC80] =	vst v14;
	v14 =	vadd.f32 v38, v15;
	v15 =	vld [tilespmem:s17+$0xCE0]  }
0xbc: {  	[tilespmem:s17+$0x8F0] =	vst v18;
	v18 =	vld [tilespmem:s17+$0xCF0]  }
0xbd: {  	[tilespmem:s17+$0xC90] =	vst v13;
	v13 =	vld [tilespmem:s17+$0x1080];
	v12 =	vadd.f32 v39, v12  }
0xbe: {  	v17 =	vadd.f32 v40, v17;
	[tilespmem:s17+$0xCA0] =	vst v14;
	v14 =	vld [tilespmem:s17+$0x1090]  }
0xbf: {  	v16 =	vadd.f32 v41, v16;
	[tilespmem:s17+$0xCB0] =	vst v12;
	v12 =	vld [tilespmem:s17+$0x10A0]  }
0xc0: {  	[tilespmem:s17+$0xCC0] =	vst v17;
	v17 =	vld [tilespmem:s17+$0x10B0];
	v15 =	vadd.f32 v42, v15  }
0xc1: {  	v19 =	vld [tilespmem:s17+$0x10C0];
	[tilespmem:s17+$0xCD0] =	vst v16;
	v16 =	vadd.f32 v43, v18  }
0xc2: {  	v18 =	vld [tilespmem:s17+$0x10D0];
	v13 =	vadd.f32 v44, v13;
	[tilespmem:s17+$0xCE0] =	vst v15  }
0xc3: {  	v20 =	vld [tilespmem:s17+$0x10E0];
	[tilespmem:s17+$0xCF0] =	vst v16;
	v14 =	vadd.f32 v45, v14  }
0xc4: {  	v16 =	vld [tilespmem:s17+$0x10F0];
	[tilespmem:s17+$0x1080] =	vst v13;
	v12 =	vadd.f32 v46, v12  }
0xc5: {  	v15 =	vld [tilespmem:s17+$0x1480];
	v13 =	vadd.f32 v47, v17;
	[tilespmem:s17+$0x1090] =	vst v14  }
0xc6: {  	v14 =	vld [tilespmem:s17+$0x1490];
	[tilespmem:s17+$0x10A0] =	vst v12;
	v12 =	vadd.f32 v48, v19  }
0xc7: {  	[tilespmem:s17+$0x10B0] =	vst v13;
	v13 =	vld [tilespmem:s17+$0x14A0];
	v18 =	vadd.f32 v49, v18  }
0xc8: {  	s18 =	simm.s32 $0x1;
	v17 =	vadd.f32 v50, v20;
	[tilespmem:s17+$0x10C0] =	vst v12;
	v12 =	vld [tilespmem:s17+$0x14B0]  }
.LBB2_3:
0xc9: {  	s19 =	sshrl.u32 s18, $0x3;
	p0 =	sne.s32 s18, $0x3F;
	[tilespmem:s17+$0x10D0] =	vst v18;
	v11 =	vadd.f32 v11, v16;
	v16 =	vld [tilespmem:s17+$0x14C0]  }
0xca: {  	s16 =	sadd.s32 $0x80, s16;
	s19 =	smul.u32 $0x1800, s19;
	[tilespmem:s17+$0x10E0] =	vst v17;
	v10 =	vadd.f32 v10, v15;
	v15 =	vld [tilespmem:s17+$0x14D0]  }
0xcb: {  	s6 =	sand.u32 $0x380, s16;
	[tilespmem:s17+$0x10F0] =	vst v11;
	v9 =	vadd.f32 v9, v14;
	v11 =	vld [tilespmem:s17+$0x14E0]  }
0xcc: {  	s6 =	sor.u32 s6, s19;
	[tilespmem:s17+$0x1480] =	vst v10;
	v8 =	vadd.f32 v8, v13;
	v10 =	vld [tilespmem:s17+$0x14F0]  }
0xcd: {  	v39 =	vld [tilespmem:s6+$0xC080];
	[tilespmem:s17+$0x1490] =	vst v9;
	v7 =	vadd.f32 v7, v12  }
0xce: {  	v40 =	vld [tilespmem:s6+$0xC090];
	[tilespmem:s17+$0x14A0] =	vst v8;
	v6 =	vadd.f32 v6, v16  }
0xcf: {  	v41 =	vld [tilespmem:s6+$0xC0A0];
	[tilespmem:s17+$0x14B0] =	vst v7;
	v5 =	vadd.f32 v5, v15  }
0xd0: {  	v42 =	vld [tilespmem:s6+$0xC0B0];
	[tilespmem:s17+$0x14C0] =	vst v6;
	v4 =	vadd.f32 v4, v11  }
0xd1: {  	v43 =	vld [tilespmem:s6+$0xC0C0];
	[tilespmem:s17+$0x14D0] =	vst v5;
	v3 =	vadd.f32 v3, v10  }
0xd2: {  	v44 =	vld [tilespmem:s6+$0xC0D0];
	[tilespmem:s17+$0x14E0] =	vst v4  }
0xd3: {  	v45 =	vld [tilespmem:s6+$0xC0E0];
	[tilespmem:s17+$0x14F0] =	vst v3;
	s17 =	smov.u32 s6  }
0xd4: {  	v46 =	vld [tilespmem:s17+$0xC0F0]  }
0xd5: {  	v47 =	vld [tilespmem:s17+$0xC480]  }
0xd6: {  	v48 =	vld [tilespmem:s17+$0xC490]  }
0xd7: {  	v49 =	vld [tilespmem:s17+$0xC4A0]  }
0xd8: {  	v50 =	vld [tilespmem:s17+$0xC4B0]  }
0xd9: {  	v38 =	vld [tilespmem:s17+$0xC4C0]  }
0xda: {  	v37 =	vld [tilespmem:s17+$0xC4D0]  }
0xdb: {  	v36 =	vld [tilespmem:s17+$0xC4E0]  }
0xdc: {  	v35 =	vld [tilespmem:s17+$0xC4F0]  }
0xdd: {  	v34 =	vld [tilespmem:s17+$0xC880]  }
0xde: {  	v33 =	vld [tilespmem:s17+$0xC890]  }
0xdf: {  	v32 =	vld [tilespmem:s17+$0xC8A0]  }
0xe0: {  	v31 =	vld [tilespmem:s17+$0xC8B0]  }
0xe1: {  	v30 =	vld [tilespmem:s17+$0xC8C0]  }
0xe2: {  	v29 =	vld [tilespmem:s17+$0xC8D0]  }
0xe3: {  	v28 =	vld [tilespmem:s17+$0xC8E0]  }
0xe4: {  	v27 =	vld [tilespmem:s17+$0xC8F0]  }
0xe5: {  	v26 =	vld [tilespmem:s17+$0xCC80]  }
0xe6: {  	v25 =	vld [tilespmem:s17+$0xCC90]  }
0xe7: {  	v24 =	vld [tilespmem:s17+$0xCCA0]  }
0xe8: {  	v23 =	vld [tilespmem:s17+$0xCCB0]  }
0xe9: {  	v22 =	vld [tilespmem:s17+$0xCCC0]  }
0xea: {  	v21 =	vld [tilespmem:s17+$0xCCD0]  }
0xeb: {  	v20 =	vld [tilespmem:s17+$0xCCE0]  }
0xec: {  	v19 =	vld [tilespmem:s17+$0xCCF0]  }
0xed: {  	v18 =	vld [tilespmem:s17+$0xD080]  }
0xee: {  	v17 =	vld [tilespmem:s17+$0xD090]  }
0xef: {  	v16 =	vld [tilespmem:s17+$0xD0A0]  }
0xf0: {  	v15 =	vld [tilespmem:s17+$0xD0B0]  }
0xf1: {  	v14 =	vld [tilespmem:s17+$0xD0C0]  }
0xf2: {  	v13 =	vld [tilespmem:s17+$0xD0D0]  }
0xf3: {  	v12 =	vld [tilespmem:s17+$0xD0E0]  }
0xf4: {  	v11 =	vld [tilespmem:s17+$0xD0F0]  }
0xf5: {  	v10 =	vld [tilespmem:s17+$0xD480]  }
0xf6: {  	v9 =	vld [tilespmem:s17+$0xD490]  }
0xf7: {  	v8 =	vld [tilespmem:s17+$0xD4A0]  }
0xf8: {  	v7 =	vld [tilespmem:s17+$0xD4B0]  }
0xf9: {  	v6 =	vld [tilespmem:s17+$0xD4C0]  }
0xfa: {  	v5 =	vld [tilespmem:s17+$0xD4D0]  }
0xfb: {  	v4 =	vld [tilespmem:s17+$0xD4E0]  }
0xfc: {  	v3 =	vld [tilespmem:s17+$0xD4F0]  }
0xfd: {  	v51 =	vld [tilespmem:s17+$0x80]  }
0xfe: {  	v52 =	vld [tilespmem:s17+$0x90]  }
0xff: {  	v53 =	vld [tilespmem:s17+$0xA0]  }
0x100: {  	v54 =	vld [tilespmem:s17+$0xB0]  }
0x101: {  	v55 =	vld [tilespmem:s17+$0xC0]  }
0x102: {  	v39 =	vadd.f32 v39, v51;
	v51 =	vld [tilespmem:s17+$0xD0]  }
0x103: {  	v40 =	vadd.f32 v40, v52;
	v52 =	vld [tilespmem:s17+$0xE0]  }
0x104: {  	[tilespmem:s17+$0x80] =	vst v39;
	v39 =	vadd.f32 v41, v53;
	v41 =	vld [tilespmem:s17+$0xF0]  }
0x105: {  	[tilespmem:s17+$0x90] =	vst v40;
	v40 =	vadd.f32 v42, v54;
	v42 =	vld [tilespmem:s17+$0x480]  }
0x106: {  	[tilespmem:s17+$0xA0] =	vst v39;
	v39 =	vadd.f32 v43, v55;
	v43 =	vld [tilespmem:s17+$0x490]  }
0x107: {  	[tilespmem:s17+$0xB0] =	vst v40;
	v40 =	vadd.f32 v44, v51;
	v44 =	vld [tilespmem:s17+$0x4A0]  }
0x108: {  	[tilespmem:s17+$0xC0] =	vst v39;
	v39 =	vadd.f32 v45, v52;
	v45 =	vld [tilespmem:s17+$0x4B0]  }
0x109: {  	[tilespmem:s17+$0xD0] =	vst v40;
	v40 =	vadd.f32 v46, v41;
	v41 =	vld [tilespmem:s17+$0x4C0]  }
0x10a: {  	[tilespmem:s17+$0xE0] =	vst v39;
	v39 =	vadd.f32 v47, v42;
	v42 =	vld [tilespmem:s17+$0x4D0]  }
0x10b: {  	[tilespmem:s17+$0xF0] =	vst v40;
	v40 =	vadd.f32 v48, v43;
	v43 =	vld [tilespmem:s17+$0x4E0]  }
0x10c: {  	[tilespmem:s17+$0x480] =	vst v39;
	v39 =	vadd.f32 v49, v44;
	v44 =	vld [tilespmem:s17+$0x4F0]  }
0x10d: {  	[tilespmem:s17+$0x490] =	vst v40;
	v40 =	vadd.f32 v50, v45;
	v45 =	vld [tilespmem:s17+$0x880]  }
0x10e: {  	[tilespmem:s17+$0x4A0] =	vst v39;
	v38 =	vadd.f32 v38, v41;
	v39 =	vld [tilespmem:s17+$0x890]  }
0x10f: {  	[tilespmem:s17+$0x4B0] =	vst v40;
	v37 =	vadd.f32 v37, v42;
	v40 =	vld [tilespmem:s17+$0x8A0]  }
0x110: {  	[tilespmem:s17+$0x4C0] =	vst v38;
	v36 =	vadd.f32 v36, v43;
	v38 =	vld [tilespmem:s17+$0x8B0]  }
0x111: {  	[tilespmem:s17+$0x4D0] =	vst v37;
	v35 =	vadd.f32 v35, v44;
	v37 =	vld [tilespmem:s17+$0x8C0]  }
0x112: {  	[tilespmem:s17+$0x4E0] =	vst v36;
	v34 =	vadd.f32 v34, v45;
	v36 =	vld [tilespmem:s17+$0x8D0]  }
0x113: {  	[tilespmem:s17+$0x4F0] =	vst v35;
	v33 =	vadd.f32 v33, v39;
	v35 =	vld [tilespmem:s17+$0x8E0]  }
0x114: {  	[tilespmem:s17+$0x880] =	vst v34;
	v32 =	vadd.f32 v32, v40;
	v34 =	vld [tilespmem:s17+$0x8F0]  }
0x115: {  	[tilespmem:s17+$0x890] =	vst v33;
	v31 =	vadd.f32 v31, v38;
	v33 =	vld [tilespmem:s17+$0xC80]  }
0x116: {  	[tilespmem:s17+$0x8A0] =	vst v32;
	v30 =	vadd.f32 v30, v37;
	v32 =	vld [tilespmem:s17+$0xC90]  }
0x117: {  	[tilespmem:s17+$0x8B0] =	vst v31;
	v29 =	vadd.f32 v29, v36;
	v31 =	vld [tilespmem:s17+$0xCA0]  }
0x118: {  	[tilespmem:s17+$0x8C0] =	vst v30;
	v28 =	vadd.f32 v28, v35;
	v30 =	vld [tilespmem:s17+$0xCB0]  }
0x119: {  	[tilespmem:s17+$0x8D0] =	vst v29;
	v27 =	vadd.f32 v27, v34;
	v29 =	vld [tilespmem:s17+$0xCC0]  }
0x11a: {  	[tilespmem:s17+$0x8E0] =	vst v28;
	v26 =	vadd.f32 v26, v33;
	v28 =	vld [tilespmem:s17+$0xCD0]  }
0x11b: {  	[tilespmem:s17+$0x8F0] =	vst v27;
	v25 =	vadd.f32 v25, v32;
	v27 =	vld [tilespmem:s17+$0xCE0]  }
0x11c: {  	[tilespmem:s17+$0xC80] =	vst v26;
	v24 =	vadd.f32 v24, v31;
	v26 =	vld [tilespmem:s17+$0xCF0]  }
0x11d: {  	[tilespmem:s17+$0xC90] =	vst v25;
	v23 =	vadd.f32 v23, v30;
	v25 =	vld [tilespmem:s17+$0x1080]  }
0x11e: {  	[tilespmem:s17+$0xCA0] =	vst v24;
	v22 =	vadd.f32 v22, v29;
	v24 =	vld [tilespmem:s17+$0x1090]  }
0x11f: {  	[tilespmem:s17+$0xCB0] =	vst v23;
	v21 =	vadd.f32 v21, v28;
	v23 =	vld [tilespmem:s17+$0x10A0]  }
0x120: {  	[tilespmem:s17+$0xCC0] =	vst v22;
	v20 =	vadd.f32 v20, v27;
	v22 =	vld [tilespmem:s17+$0x10B0]  }
0x121: {  	[tilespmem:s17+$0xCD0] =	vst v21;
	v19 =	vadd.f32 v19, v26;
	v21 =	vld [tilespmem:s17+$0x10C0]  }
0x122: {  	[tilespmem:s17+$0xCE0] =	vst v20;
	v18 =	vadd.f32 v18, v25;
	v20 =	vld [tilespmem:s17+$0x10D0]  }
0x123: {  	[tilespmem:s17+$0xCF0] =	vst v19;
	v17 =	vadd.f32 v17, v24;
	v19 =	vld [tilespmem:s17+$0x10E0]  }
.Ltmp0:
0x124: {  	[tilespmem:s17+$0x1080] =	vst v18;
	v18 =	vadd.f32 v16, v23;
	v16 =	vld [tilespmem:s17+$0x10F0];
	(pc) =	sbr.rel @p0 .LBB2_3-.Ltmp0, $4  }
0x125: {  	[tilespmem:s17+$0x1090] =	vst v17;
	v17 =	vadd.f32 v15, v22;
	v15 =	vld [tilespmem:s17+$0x1480]  }
0x126: {  	[tilespmem:s17+$0x10A0] =	vst v18;
	v21 =	vadd.f32 v14, v21;
	v14 =	vld [tilespmem:s17+$0x1490]  }
0x127: {  	[tilespmem:s17+$0x10B0] =	vst v17;
	v18 =	vadd.f32 v13, v20;
	v13 =	vld [tilespmem:s17+$0x14A0]  }
0x128: {  	s18 =	sadd.s32 $0x1, s18;
	[tilespmem:s17+$0x10C0] =	vst v21;
	v17 =	vadd.f32 v12, v19;
	v12 =	vld [tilespmem:s17+$0x14B0]  }
0x129: {  	[tilespmem:s17+$0x10D0] =	vst v18;
	v60 =	vld [tilespmem:s17+$0x14C0];
	v11 =	vadd.f32 v11, v16  }
0x12a: {  	v61 =	vld [tilespmem:s17+$0x14D0];
	[tilespmem:s17+$0x10E0] =	vst v17;
	v10 =	vadd.f32 v10, v15  }
0x12b: {  	v62 =	vld [tilespmem:s17+$0x14E0];
	[tilespmem:s17+$0x10F0] =	vst v11;
	v9 =	vadd.f32 v9, v14  }
0x12c: {  	v63 =	vld [tilespmem:s17+$0x14F0];
	[tilespmem:s17+$0x1480] =	vst v10;
	v8 =	vadd.f32 v8, v13  }
0x12d: {  	[tilespmem:s17+$0x1490] =	vst v9;
	v7 =	vadd.f32 v7, v12  }
0x12e: {  	[tilespmem:s17+$0x14A0] =	vst v8;
	v6 =	vadd.f32 v6, v60  }
0x12f: {  	v5 =	vadd.f32 v5, v61;
	[tilespmem:s17+$0x14B0] =	vst v7  }
0x130: {  	v4 =	vadd.f32 v4, v62;
	[tilespmem:s17+$0x14C0] =	vst v6  }
0x131: {  	s6 =	smul.u32 $0x300, s15;
	s14 =	sadd.s32 $0x1, s14;
	v3 =	vadd.f32 v3, v63;
	[tilespmem:s17+$0x14D0] =	vst v5  }
0x132: {  	s19 =	rddreg [dreg:$0x2];
	p0 =	sne.s32 s14, $0x40;
	[tilespmem:s17+$0x14E0] =	vst v4  }
.Ltmp1:
0x133: {  	s6 =	sadd.s32 s19, s6;
	[tilespmem:s17+$0x14F0] =	vst v3;
	(pc) =	sbr.rel @p0 .LBB2_2-.Ltmp1, $4  }
0x134: {  	[hbm4b:s6+s20] =	stream.linear.scatter [tilespmem:s13], [sflag:$0x2], $0xC000, $0x38;
	[tilespmem:$0x18080] =	vst v63  }
0x135: {  	_ =	swait.ge [sflag:s12], $0xC000  }
0x136: {  	[sflag:s12] =	ssyncset.done $0x0  }
0x137: {  	[sflag:s12] =	ssyncadd.s32 $0xFFFF4000  }
0x138: {  	s14 =	rddreg [dreg:$0x6]  }
0x139: {  	s6 =	rddreg [dreg:$0x5];
	s14 =	sadd.s32 $0x1, s14  }
0x13a: {  	p0 =	sne.s32 s14, s6  }
.Ltmp2:
0x13b: {  	_ = 	snop;
	(pc) =	sbr.rel @p0 .LBB2_1-.Ltmp2, $1  }
0x13c: {  	_ =	sdelay $0x3  }
0x13d: {  	_ =	sfence.sel $0x180000  }
0x13e: {  	[bflag:$0x0] =	sbarrier.arrive $0xFFFF  }
0x13f: {  	_ =	strace $0x90000047  }
0x140: {  	s0 =	stileid.u32;
	[bflag:$0x2] =	sbarrier.arrive $0xFFFF  }
0x141: {  	p0 =	sne.s32 s0, $0x0;
	s0 =	rddreg [dreg:$0x3]  }
0x142: {  	s0 =	sadd.s32 @!p0 $0x100000, s0  }
0x143: {  	[sflag:s0] =	ssyncadd.tile.s32 @!p0 $0x1;
	_ =	shalt  }
.Lfunc_end2:
_tile_overlayer_lowered:
.L_overlay_start_2:
0x144: {  	(tag) =	ssettag $0x2  }
0x145: {  	s0 =	rddreg [dreg:$0x0];
	s2 =	stileid.u32  }
0x146: {  	s1 =	rddreg [dreg:$0x1];
	p0 =	sne.s32 s2, $0x0  }
0x147: {  	s3 =	rddreg [dreg:$0x2];
	[bflag:$0x3] =	sbarrier.arrive $0xFFFF;
	s2 =	simm.s32 @!p0 $0x1C02  }
0x148: {  	[timem:s3], [sflag:s2] =	dma.local @!p0 [hbm:s0], s1  }
0x149: {  	s0 =	simm.s32 @!p0 $0x2  }
0x14a: {  	_ =	swait.ge @!p0 [sflag:s0], s1  }
0x14b: {  	s1 =	ssub.s32 @!p0 $0x0, s1;
	[sflag:s0] =	ssyncset.done @!p0 $0x0  }
0x14c: {  	[sflag:s0] =	ssyncadd.s32 @!p0 s1  }
0x14d: {  	[bflag:$0x3] =	sbarrier.arrive $0xFFFF  }
0x14e: {  	_ =	shalt  }

</sc_bundles>
